<compile_context>
chip_gen: v7x
topology: tpu7x:2x2x1
jax: 0.10.2.dev20260603
libtpu: 0.0.44.dev20260713+nightly
codegen_flags: <defaults>
</compile_context>

<pallas_src>
import jax
import jax.numpy as jnp
from jax import lax
from jax.experimental import pallas as pl
from jax.experimental.pallas import tpu as pltpu
from jax.experimental.pallas import tpu_sc as plsc

_NC = 2
_NS = 16
_NW = _NC * _NS

_G = 1
_NB = 7
_K = 6


def _gather_kernel(table, idxh, out, idx_v, bufs, gsem, wsem):
    n_rows = idxh.shape[1]
    n_chunks = n_rows // _G
    wid = lax.axis_index("s") * _NC + lax.axis_index("c")
    base = wid * n_rows
    pltpu.sync_copy(idxh.at[wid], idx_v)

    def fire_gather(c, b):
        for g in range(_G):
            pltpu.async_copy(table.at[idx_v.at[c * _G + g]], bufs.at[b, g],
                             gsem.at[b, g])

    def wait_gather(c, b):
        for g in range(_G):
            pltpu.make_async_copy(table.at[idx_v.at[c * _G + g]],
                                  bufs.at[b, g], gsem.at[b, g]).wait()

    def fire_wb(c, b):
        pltpu.async_copy(bufs.at[b], out.at[pl.ds(base + c * _G, _G)],
                         wsem.at[b])

    def wait_wb(c, b):
        pltpu.make_async_copy(bufs.at[b], out.at[pl.ds(base + c * _G, _G)],
                              wsem.at[b]).wait()

    for c in range(_K):
        fire_gather(c, c)

    def chunk_body(c, carry):
        @pl.when(c + _K < n_chunks)
        def _():
            bb = lax.rem(c + _K, _NB)

            @pl.when(c + _K >= _NB)
            def _():
                wait_wb(c + _K - _NB, bb)

            fire_gather(c + _K, bb)

        b = lax.rem(c, _NB)
        wait_gather(c, b)
        fire_wb(c, b)
        return carry

    lax.fori_loop(0, n_chunks, chunk_body, 0, unroll=5)

    for r in range(_NB):
        c = n_chunks - _NB + r
        wait_wb(c, lax.rem(c, _NB))


@jax.jit
def _embedding_lookup(weight, flat_ids):
    b_total = flat_ids.shape[0]
    d = weight.shape[1]
    rows_per_w = b_total // _NW // 128
    mesh = plsc.VectorSubcoreMesh(core_axis_name="c", subcore_axis_name="s")
    f = pl.kernel(
        _gather_kernel,
        out_type=jax.ShapeDtypeStruct((b_total // 128, 128, d), jnp.float32),
        mesh=mesh,
        scratch_types=[
            pltpu.VMEM((rows_per_w, 128), jnp.int32),
            pltpu.VMEM((_NB, _G, 128, d), jnp.float32),
            pltpu.SemaphoreType.DMA((_NB, _G)),
            pltpu.SemaphoreType.DMA((_NB,)),
        ],
    )
    return f(weight, flat_ids.reshape(_NW, rows_per_w, 128))


def kernel(token_ids, weight):
    b, l = token_ids.shape
    flat = token_ids.reshape(-1).astype(jnp.int32)
    out = _embedding_lookup(weight, flat)
    return out.reshape(b, l, weight.shape[1])

# --- scband reference (transcript-rebuilt; emitter-appended) ---
"""Pipeline reference for scband-embedding-12017318494409 (READ-ONLY COPY).

The authoritative reference and input builder live on the scoring server;
editing this copy changes nothing except your own understanding.
"""

import jax, jax.numpy as jnp
import numpy as np

NUM_EMBEDDINGS = 100000
EMBEDDING_DIM = 128
BATCH = 1024
SEQ = 200


def setup_inputs(seed: int = 0) -> dict:
    key = jax.random.key(seed)
    k1, k2 = jax.random.split(key)
    token_ids = jax.random.randint(k1, (BATCH, SEQ), 0, NUM_EMBEDDINGS, dtype=jnp.int64 if jax.config.read('jax_enable_x64') else jnp.int32)
    # trunc_normal_(mean=0, std=1, a=-3, b=3) approximated via clipped normal
    weight = jnp.clip(jax.random.normal(k2, (NUM_EMBEDDINGS, EMBEDDING_DIM), dtype=jnp.float32), -3.0, 3.0)
    return {"token_ids": token_ids, "weight": weight}


def reference(token_ids, weight):
    b, l = token_ids.shape
    flat = token_ids.reshape(-1).astype(jnp.int32)
    gathered = jnp.take(weight, flat, axis=0)
    return gathered.reshape(b, l, weight.shape[1])

if __name__ == "__main__":
    import jax
    _d = setup_inputs()
    print(jax.jit(kernel)(*tuple(_d.values())))

</pallas_src>

<mosaic_0001>
#map = affine_map<(d0, d1) -> (0, 0)>
#map1 = affine_map<(d0, d1) -> (0, 0, 0)>
module attributes {stable_mosaic.version = 14 : i64} {
  func.func @_gather_kernel(%arg0: i32, %arg1: i32, %arg2: memref<100000x128xf32, #tpu.memory_space<hbm>>, %arg3: memref<32x50x128xi32, #tpu.memory_space<hbm>>, %arg4: memref<1600x128x128xf32, #tpu.memory_space<hbm>>, %arg5: memref<50x128xi32, #tpu.memory_space<vmem>>, %arg6: memref<7x1x128x128xf32, #tpu.memory_space<vmem>>, %arg7: memref<7x1x!tpu.dma_semaphore, #tpu.memory_space<semaphore_mem>>, %arg8: memref<7x!tpu.dma_semaphore, #tpu.memory_space<semaphore_mem>>) attributes {dimension_semantics = [#tpu.dimension_semantics<core_parallel>, #tpu.dimension_semantics<subcore_parallel>], iteration_bounds = array<i64: 2, 16>, scalar_prefetch = 0 : i64, scratch_operands = 4 : i64, tpu.core_type = #tpu.core_type<sc_vector_subcore>, window_params = [{transform_indices = #map}, {transform_indices = #map1}, {transform_indices = #map1}]} {
    %mul3A = arith.constant 2 : i32
    %mul3A_0 = arith.muli %arg1, %mul3A : i32
    %add3A = arith.addi %mul3A_0, %arg0 : i32
    %mul3A_1 = arith.constant 50 : i32
    %mul3A_2 = arith.muli %add3A, %mul3A_1 : i32
    "tpu.region"() ({
      %run_scoped3A = tpu.sem_alloc : memref<!tpu.dma_semaphore, #tpu.memory_space<semaphore_mem>>
      %dma_start3A_268 = arith.constant 0 : i32
      %dma_start3A_269 = arith.constant 0 : i32
      %dma_start3A_270 = tpu.memref_slice %arg3[%add3A, %dma_start3A_268, %dma_start3A_269] : memref<32x50x128xi32, #tpu.memory_space<hbm>> -> memref<1x50x128xi32, #tpu.memory_space<hbm>>
      %dma_start3A_271 = tpu.memref_squeeze %dma_start3A_270 : memref<1x50x128xi32, #tpu.memory_space<hbm>> -> memref<50x128xi32, #tpu.memory_space<hbm>>
      %dma_start3A_272 = arith.constant 0 : i32
      %dma_start3A_273 = arith.constant 0 : i32
      %dma_start3A_274 = tpu.memref_slice %arg3[%add3A, %dma_start3A_272, %dma_start3A_273] : memref<32x50x128xi32, #tpu.memory_space<hbm>> -> memref<1x50x128xi32, #tpu.memory_space<hbm>>
      %dma_start3A_275 = tpu.memref_squeeze %dma_start3A_274 : memref<1x50x128xi32, #tpu.memory_space<hbm>> -> memref<50x128xi32, #tpu.memory_space<hbm>>
      tpu.enqueue_dma source(%dma_start3A_275 : memref<50x128xi32, #tpu.memory_space<hbm>>) target(%arg5 : memref<50x128xi32, #tpu.memory_space<vmem>>) target_semaphore(%run_scoped3A : memref<!tpu.dma_semaphore, #tpu.memory_space<semaphore_mem>>)
      %dma_wait3A_276 = arith.constant 0 : i32
      %dma_wait3A_277 = arith.constant 0 : i32
      %dma_wait3A_278 = tpu.memref_slice %arg3[%add3A, %dma_wait3A_276, %dma_wait3A_277] : memref<32x50x128xi32, #tpu.memory_space<hbm>> -> memref<1x50x128xi32, #tpu.memory_space<hbm>>
      %dma_wait3A_279 = tpu.memref_squeeze %dma_wait3A_278 : memref<1x50x128xi32, #tpu.memory_space<hbm>> -> memref<50x128xi32, #tpu.memory_space<hbm>>
      %dma_wait3A_280 = arith.constant 0 : i32
      %dma_wait3A_281 = arith.constant 0 : i32
      %dma_wait3A_282 = tpu.memref_slice %arg3[%add3A, %dma_wait3A_280, %dma_wait3A_281] : memref<32x50x128xi32, #tpu.memory_space<hbm>> -> memref<1x50x128xi32, #tpu.memory_space<hbm>>
      %dma_wait3A_283 = tpu.memref_squeeze %dma_wait3A_282 : memref<1x50x128xi32, #tpu.memory_space<hbm>> -> memref<50x128xi32, #tpu.memory_space<hbm>>
      tpu.wait_dma2 semaphore(%run_scoped3A : memref<!tpu.dma_semaphore, #tpu.memory_space<semaphore_mem>>) src(%dma_wait3A_283 : memref<50x128xi32, #tpu.memory_space<hbm>>) dst(%arg5 : memref<50x128xi32, #tpu.memory_space<vmem>>)
      tpu.yield
    }) : () -> ()
    %dma_start3A = arith.constant 0 : i32
    %dma_start3A_3 = arith.constant 0 : i32
    %dma_start3A_4 = arith.constant 0 : i32
    %dma_start3A_5 = arith.constant 0 : i32
    %dma_start3A_6 = arith.constant 0 : i32
    %dma_start3A_7 = arith.constant 0 : i32
    %dma_start3A_8 = arith.constant 0 : i32
    %dma_start3A_9 = tpu.memref_slice %arg6[%dma_start3A_3, %dma_start3A_4, %dma_start3A_7, %dma_start3A_8] : memref<7x1x128x128xf32, #tpu.memory_space<vmem>> -> memref<1x1x128x128xf32, #tpu.memory_space<vmem>>
    %dma_start3A_10 = tpu.memref_squeeze %dma_start3A_9 : memref<1x1x128x128xf32, #tpu.memory_space<vmem>> -> memref<128x128xf32, #tpu.memory_space<vmem>>
    %dma_start3A_11 = arith.constant 0 : i32
    %dma_start3A_12 = tpu.memref_slice %arg5[%dma_start3A, %dma_start3A_11] : memref<50x128xi32, #tpu.memory_space<vmem>> -> memref<1x128xi32, #tpu.memory_space<vmem>>
    %dma_start3A_13 = tpu.memref_squeeze %dma_start3A_12 : memref<1x128xi32, #tpu.memory_space<vmem>> -> memref<128xi32, #tpu.memory_space<vmem>>
    %dma_start3A_14 = arith.constant 0 : i32
    %dma_start3A_15 = arith.constant 0 : i32
    %dma_start3A_16 = tpu.memref_slice %arg2[%dma_start3A_14, %dma_start3A_15] : memref<100000x128xf32, #tpu.memory_space<hbm>> -> memref<100000x128xf32, #tpu.memory_space<hbm>>
    %dma_start3A_17 = tpu.memref_slice %arg7[%dma_start3A_5, %dma_start3A_6] : memref<7x1x!tpu.dma_semaphore, #tpu.memory_space<semaphore_mem>> -> memref<1x1x!tpu.dma_semaphore, #tpu.memory_space<semaphore_mem>>
    %dma_start3A_18 = tpu.memref_squeeze %dma_start3A_17 : memref<1x1x!tpu.dma_semaphore, #tpu.memory_space<semaphore_mem>> -> memref<!tpu.dma_semaphore, #tpu.memory_space<semaphore_mem>>
    tpu.enqueue_indirect_dma source(%dma_start3A_16 : memref<100000x128xf32, #tpu.memory_space<hbm>>) target(%dma_start3A_10 : memref<128x128xf32, #tpu.memory_space<vmem>>) offsets(%dma_start3A_13 : memref<128xi32, #tpu.memory_space<vmem>>) semaphore(%dma_start3A_18 : memref<!tpu.dma_semaphore, #tpu.memory_space<semaphore_mem>>)
    %dma_start3A_19 = arith.constant 1 : i32
    %dma_start3A_20 = arith.constant 1 : i32
    %dma_start3A_21 = arith.constant 0 : i32
    %dma_start3A_22 = arith.constant 1 : i32
    %dma_start3A_23 = arith.constant 0 : i32
    %dma_start3A_24 = arith.constant 0 : i32
    %dma_start3A_25 = arith.constant 0 : i32
    %dma_start3A_26 = tpu.memref_slice %arg6[%dma_start3A_20, %dma_start3A_21, %dma_start3A_24, %dma_start3A_25] : memref<7x1x128x128xf32, #tpu.memory_space<vmem>> -> memref<1x1x128x128xf32, #tpu.memory_space<vmem>>
    %dma_start3A_27 = tpu.memref_squeeze %dma_start3A_26 : memref<1x1x128x128xf32, #tpu.memory_space<vmem>> -> memref<128x128xf32, #tpu.memory_space<vmem>>
    %dma_start3A_28 = arith.constant 0 : i32
    %dma_start3A_29 = tpu.memref_slice %arg5[%dma_start3A_19, %dma_start3A_28] : memref<50x128xi32, #tpu.memory_space<vmem>> -> memref<1x128xi32, #tpu.memory_space<vmem>>
    %dma_start3A_30 = tpu.memref_squeeze %dma_start3A_29 : memref<1x128xi32, #tpu.memory_space<vmem>> -> memref<128xi32, #tpu.memory_space<vmem>>
    %dma_start3A_31 = arith.constant 0 : i32
    %dma_start3A_32 = arith.constant 0 : i32
    %dma_start3A_33 = tpu.memref_slice %arg2[%dma_start3A_31, %dma_start3A_32] : memref<100000x128xf32, #tpu.memory_space<hbm>> -> memref<100000x128xf32, #tpu.memory_space<hbm>>
    %dma_start3A_34 = tpu.memref_slice %arg7[%dma_start3A_22, %dma_start3A_23] : memref<7x1x!tpu.dma_semaphore, #tpu.memory_space<semaphore_mem>> -> memref<1x1x!tpu.dma_semaphore, #tpu.memory_space<semaphore_mem>>
    %dma_start3A_35 = tpu.memref_squeeze %dma_start3A_34 : memref<1x1x!tpu.dma_semaphore, #tpu.memory_space<semaphore_mem>> -> memref<!tpu.dma_semaphore, #tpu.memory_space<semaphore_mem>>
    tpu.enqueue_indirect_dma source(%dma_start3A_33 : memref<100000x128xf32, #tpu.memory_space<hbm>>) target(%dma_start3A_27 : memref<128x128xf32, #tpu.memory_space<vmem>>) offsets(%dma_start3A_30 : memref<128xi32, #tpu.memory_space<vmem>>) semaphore(%dma_start3A_35 : memref<!tpu.dma_semaphore, #tpu.memory_space<semaphore_mem>>)
    %dma_start3A_36 = arith.constant 2 : i32
    %dma_start3A_37 = arith.constant 2 : i32
    %dma_start3A_38 = arith.constant 0 : i32
    %dma_start3A_39 = arith.constant 2 : i32
    %dma_start3A_40 = arith.constant 0 : i32
    %dma_start3A_41 = arith.constant 0 : i32
    %dma_start3A_42 = arith.constant 0 : i32
    %dma_start3A_43 = tpu.memref_slice %arg6[%dma_start3A_37, %dma_start3A_38, %dma_start3A_41, %dma_start3A_42] : memref<7x1x128x128xf32, #tpu.memory_space<vmem>> -> memref<1x1x128x128xf32, #tpu.memory_space<vmem>>
    %dma_start3A_44 = tpu.memref_squeeze %dma_start3A_43 : memref<1x1x128x128xf32, #tpu.memory_space<vmem>> -> memref<128x128xf32, #tpu.memory_space<vmem>>
    %dma_start3A_45 = arith.constant 0 : i32
    %dma_start3A_46 = tpu.memref_slice %arg5[%dma_start3A_36, %dma_start3A_45] : memref<50x128xi32, #tpu.memory_space<vmem>> -> memref<1x128xi32, #tpu.memory_space<vmem>>
    %dma_start3A_47 = tpu.memref_squeeze %dma_start3A_46 : memref<1x128xi32, #tpu.memory_space<vmem>> -> memref<128xi32, #tpu.memory_space<vmem>>
    %dma_start3A_48 = arith.constant 0 : i32
    %dma_start3A_49 = arith.constant 0 : i32
    %dma_start3A_50 = tpu.memref_slice %arg2[%dma_start3A_48, %dma_start3A_49] : memref<100000x128xf32, #tpu.memory_space<hbm>> -> memref<100000x128xf32, #tpu.memory_space<hbm>>
    %dma_start3A_51 = tpu.memref_slice %arg7[%dma_start3A_39, %dma_start3A_40] : memref<7x1x!tpu.dma_semaphore, #tpu.memory_space<semaphore_mem>> -> memref<1x1x!tpu.dma_semaphore, #tpu.memory_space<semaphore_mem>>
    %dma_start3A_52 = tpu.memref_squeeze %dma_start3A_51 : memref<1x1x!tpu.dma_semaphore, #tpu.memory_space<semaphore_mem>> -> memref<!tpu.dma_semaphore, #tpu.memory_space<semaphore_mem>>
    tpu.enqueue_indirect_dma source(%dma_start3A_50 : memref<100000x128xf32, #tpu.memory_space<hbm>>) target(%dma_start3A_44 : memref<128x128xf32, #tpu.memory_space<vmem>>) offsets(%dma_start3A_47 : memref<128xi32, #tpu.memory_space<vmem>>) semaphore(%dma_start3A_52 : memref<!tpu.dma_semaphore, #tpu.memory_space<semaphore_mem>>)
    %dma_start3A_53 = arith.constant 3 : i32
    %dma_start3A_54 = arith.constant 3 : i32
    %dma_start3A_55 = arith.constant 0 : i32
    %dma_start3A_56 = arith.constant 3 : i32
    %dma_start3A_57 = arith.constant 0 : i32
    %dma_start3A_58 = arith.constant 0 : i32
    %dma_start3A_59 = arith.constant 0 : i32
    %dma_start3A_60 = tpu.memref_slice %arg6[%dma_start3A_54, %dma_start3A_55, %dma_start3A_58, %dma_start3A_59] : memref<7x1x128x128xf32, #tpu.memory_space<vmem>> -> memref<1x1x128x128xf32, #tpu.memory_space<vmem>>
    %dma_start3A_61 = tpu.memref_squeeze %dma_start3A_60 : memref<1x1x128x128xf32, #tpu.memory_space<vmem>> -> memref<128x128xf32, #tpu.memory_space<vmem>>
    %dma_start3A_62 = arith.constant 0 : i32
    %dma_start3A_63 = tpu.memref_slice %arg5[%dma_start3A_53, %dma_start3A_62] : memref<50x128xi32, #tpu.memory_space<vmem>> -> memref<1x128xi32, #tpu.memory_space<vmem>>
    %dma_start3A_64 = tpu.memref_squeeze %dma_start3A_63 : memref<1x128xi32, #tpu.memory_space<vmem>> -> memref<128xi32, #tpu.memory_space<vmem>>
    %dma_start3A_65 = arith.constant 0 : i32
    %dma_start3A_66 = arith.constant 0 : i32
    %dma_start3A_67 = tpu.memref_slice %arg2[%dma_start3A_65, %dma_start3A_66] : memref<100000x128xf32, #tpu.memory_space<hbm>> -> memref<100000x128xf32, #tpu.memory_space<hbm>>
    %dma_start3A_68 = tpu.memref_slice %arg7[%dma_start3A_56, %dma_start3A_57] : memref<7x1x!tpu.dma_semaphore, #tpu.memory_space<semaphore_mem>> -> memref<1x1x!tpu.dma_semaphore, #tpu.memory_space<semaphore_mem>>
    %dma_start3A_69 = tpu.memref_squeeze %dma_start3A_68 : memref<1x1x!tpu.dma_semaphore, #tpu.memory_space<semaphore_mem>> -> memref<!tpu.dma_semaphore, #tpu.memory_space<semaphore_mem>>
    tpu.enqueue_indirect_dma source(%dma_start3A_67 : memref<100000x128xf32, #tpu.memory_space<hbm>>) target(%dma_start3A_61 : memref<128x128xf32, #tpu.memory_space<vmem>>) offsets(%dma_start3A_64 : memref<128xi32, #tpu.memory_space<vmem>>) semaphore(%dma_start3A_69 : memref<!tpu.dma_semaphore, #tpu.memory_space<semaphore_mem>>)
    %dma_start3A_70 = arith.constant 4 : i32
    %dma_start3A_71 = arith.constant 4 : i32
    %dma_start3A_72 = arith.constant 0 : i32
    %dma_start3A_73 = arith.constant 4 : i32
    %dma_start3A_74 = arith.constant 0 : i32
    %dma_start3A_75 = arith.constant 0 : i32
    %dma_start3A_76 = arith.constant 0 : i32
    %dma_start3A_77 = tpu.memref_slice %arg6[%dma_start3A_71, %dma_start3A_72, %dma_start3A_75, %dma_start3A_76] : memref<7x1x128x128xf32, #tpu.memory_space<vmem>> -> memref<1x1x128x128xf32, #tpu.memory_space<vmem>>
    %dma_start3A_78 = tpu.memref_squeeze %dma_start3A_77 : memref<1x1x128x128xf32, #tpu.memory_space<vmem>> -> memref<128x128xf32, #tpu.memory_space<vmem>>
    %dma_start3A_79 = arith.constant 0 : i32
    %dma_start3A_80 = tpu.memref_slice %arg5[%dma_start3A_70, %dma_start3A_79] : memref<50x128xi32, #tpu.memory_space<vmem>> -> memref<1x128xi32, #tpu.memory_space<vmem>>
    %dma_start3A_81 = tpu.memref_squeeze %dma_start3A_80 : memref<1x128xi32, #tpu.memory_space<vmem>> -> memref<128xi32, #tpu.memory_space<vmem>>
    %dma_start3A_82 = arith.constant 0 : i32
    %dma_start3A_83 = arith.constant 0 : i32
    %dma_start3A_84 = tpu.memref_slice %arg2[%dma_start3A_82, %dma_start3A_83] : memref<100000x128xf32, #tpu.memory_space<hbm>> -> memref<100000x128xf32, #tpu.memory_space<hbm>>
    %dma_start3A_85 = tpu.memref_slice %arg7[%dma_start3A_73, %dma_start3A_74] : memref<7x1x!tpu.dma_semaphore, #tpu.memory_space<semaphore_mem>> -> memref<1x1x!tpu.dma_semaphore, #tpu.memory_space<semaphore_mem>>
    %dma_start3A_86 = tpu.memref_squeeze %dma_start3A_85 : memref<1x1x!tpu.dma_semaphore, #tpu.memory_space<semaphore_mem>> -> memref<!tpu.dma_semaphore, #tpu.memory_space<semaphore_mem>>
    tpu.enqueue_indirect_dma source(%dma_start3A_84 : memref<100000x128xf32, #tpu.memory_space<hbm>>) target(%dma_start3A_78 : memref<128x128xf32, #tpu.memory_space<vmem>>) offsets(%dma_start3A_81 : memref<128xi32, #tpu.memory_space<vmem>>) semaphore(%dma_start3A_86 : memref<!tpu.dma_semaphore, #tpu.memory_space<semaphore_mem>>)
    %dma_start3A_87 = arith.constant 5 : i32
    %dma_start3A_88 = arith.constant 5 : i32
    %dma_start3A_89 = arith.constant 0 : i32
    %dma_start3A_90 = arith.constant 5 : i32
    %dma_start3A_91 = arith.constant 0 : i32
    %dma_start3A_92 = arith.constant 0 : i32
    %dma_start3A_93 = arith.constant 0 : i32
    %dma_start3A_94 = tpu.memref_slice %arg6[%dma_start3A_88, %dma_start3A_89, %dma_start3A_92, %dma_start3A_93] : memref<7x1x128x128xf32, #tpu.memory_space<vmem>> -> memref<1x1x128x128xf32, #tpu.memory_space<vmem>>
    %dma_start3A_95 = tpu.memref_squeeze %dma_start3A_94 : memref<1x1x128x128xf32, #tpu.memory_space<vmem>> -> memref<128x128xf32, #tpu.memory_space<vmem>>
    %dma_start3A_96 = arith.constant 0 : i32
    %dma_start3A_97 = tpu.memref_slice %arg5[%dma_start3A_87, %dma_start3A_96] : memref<50x128xi32, #tpu.memory_space<vmem>> -> memref<1x128xi32, #tpu.memory_space<vmem>>
    %dma_start3A_98 = tpu.memref_squeeze %dma_start3A_97 : memref<1x128xi32, #tpu.memory_space<vmem>> -> memref<128xi32, #tpu.memory_space<vmem>>
    %dma_start3A_99 = arith.constant 0 : i32
    %dma_start3A_100 = arith.constant 0 : i32
    %dma_start3A_101 = tpu.memref_slice %arg2[%dma_start3A_99, %dma_start3A_100] : memref<100000x128xf32, #tpu.memory_space<hbm>> -> memref<100000x128xf32, #tpu.memory_space<hbm>>
    %dma_start3A_102 = tpu.memref_slice %arg7[%dma_start3A_90, %dma_start3A_91] : memref<7x1x!tpu.dma_semaphore, #tpu.memory_space<semaphore_mem>> -> memref<1x1x!tpu.dma_semaphore, #tpu.memory_space<semaphore_mem>>
    %dma_start3A_103 = tpu.memref_squeeze %dma_start3A_102 : memref<1x1x!tpu.dma_semaphore, #tpu.memory_space<semaphore_mem>> -> memref<!tpu.dma_semaphore, #tpu.memory_space<semaphore_mem>>
    tpu.enqueue_indirect_dma source(%dma_start3A_101 : memref<100000x128xf32, #tpu.memory_space<hbm>>) target(%dma_start3A_95 : memref<128x128xf32, #tpu.memory_space<vmem>>) offsets(%dma_start3A_98 : memref<128xi32, #tpu.memory_space<vmem>>) semaphore(%dma_start3A_103 : memref<!tpu.dma_semaphore, #tpu.memory_space<semaphore_mem>>)
    %scan3A = arith.constant 0 : i32
    %scan3A_104 = arith.constant 0 : i32
    %scan3A_105 = arith.constant 50 : i32
    %scan3A_106 = arith.addi %scan3A_104, %scan3A_105 : i32
    %scan3A_107 = arith.constant 5 : i32
    scf.for %scan3A_268 = %scan3A_104 to %scan3A_106 step %scan3A_107  : i32 {
      %add3A_269 = arith.constant 6 : i32
      %add3A_270 = arith.addi %scan3A_268, %add3A_269 : i32
      %lt3A = arith.constant 50 : i32
      %lt3A_271 = arith.cmpi slt, %add3A_270, %lt3A : i32
      %convert_element_type3A = arith.extui %lt3A_271 : i1 to i32
      %cond3A = arith.constant 0 : i32
      %cond3A_272 = arith.cmpi ne, %convert_element_type3A, %cond3A : i32
      scf.if %cond3A_272 {
        %add3A_514 = arith.constant 6 : i32
        %add3A_515 = arith.addi %scan3A_268, %add3A_514 : i32
        %rem3A_516 = arith.constant 7 : i32
        %rem3A_517 = arith.remsi %add3A_515, %rem3A_516 : i32
        %add3A_518 = arith.constant 6 : i32
        %add3A_519 = arith.addi %scan3A_268, %add3A_518 : i32
        %ge3A = arith.constant 7 : i32
        %ge3A_520 = arith.cmpi sge, %add3A_519, %ge3A : i32
        %convert_element_type3A_521 = arith.extui %ge3A_520 : i1 to i32
        %cond3A_522 = arith.constant 0 : i32
        %cond3A_523 = arith.cmpi ne, %convert_element_type3A_521, %cond3A_522 : i32
        scf.if %cond3A_523 {
          %add3A_544 = arith.constant 6 : i32
          %add3A_545 = arith.addi %scan3A_268, %add3A_544 : i32
          %sub3A = arith.constant 7 : i32
          %sub3A_546 = arith.subi %add3A_545, %sub3A : i32
          %mul3A_547 = arith.constant 1 : i32
          %mul3A_548 = arith.muli %sub3A_546, %mul3A_547 : i32
          %add3A_549 = arith.addi %mul3A_2, %mul3A_548 : i32
          %dma_wait3A_550 = arith.constant 0 : i32
          %dma_wait3A_551 = arith.constant 0 : i32
          %dma_wait3A_552 = arith.constant 0 : i32
          %dma_wait3A_553 = tpu.memref_slice %arg6[%rem3A_517, %dma_wait3A_550, %dma_wait3A_551, %dma_wait3A_552] : memref<7x1x128x128xf32, #tpu.memory_space<vmem>> -> memref<1x1x128x128xf32, #tpu.memory_space<vmem>>
          %dma_wait3A_554 = tpu.memref_squeeze %dma_wait3A_553 : memref<1x1x128x128xf32, #tpu.memory_space<vmem>> -> memref<1x128x128xf32, #tpu.memory_space<vmem>>
          %dma_wait3A_555 = arith.constant 0 : i32
          %dma_wait3A_556 = arith.constant 0 : i32
          %dma_wait3A_557 = tpu.memref_slice %arg4[%add3A_549, %dma_wait3A_555, %dma_wait3A_556] : memref<1600x128x128xf32, #tpu.memory_space<hbm>> -> memref<1x128x128xf32, #tpu.memory_space<hbm>>
          %dma_wait3A_558 = tpu.memref_slice %arg8[%rem3A_517] : memref<7x!tpu.dma_semaphore, #tpu.memory_space<semaphore_mem>> -> memref<1x!tpu.dma_semaphore, #tpu.memory_space<semaphore_mem>>
          %dma_wait3A_559 = tpu.memref_squeeze %dma_wait3A_558 : memref<1x!tpu.dma_semaphore, #tpu.memory_space<semaphore_mem>> -> memref<!tpu.dma_semaphore, #tpu.memory_space<semaphore_mem>>
          %dma_wait3A_560 = arith.constant 0 : i32
          %dma_wait3A_561 = arith.constant 0 : i32
          %dma_wait3A_562 = tpu.memref_slice %arg4[%add3A_549, %dma_wait3A_560, %dma_wait3A_561] : memref<1600x128x128xf32, #tpu.memory_space<hbm>> -> memref<1x128x128xf32, #tpu.memory_space<hbm>>
          %dma_wait3A_563 = arith.constant 0 : i32
          %dma_wait3A_564 = arith.constant 0 : i32
          %dma_wait3A_565 = arith.constant 0 : i32
          %dma_wait3A_566 = tpu.memref_slice %arg6[%rem3A_517, %dma_wait3A_563, %dma_wait3A_564, %dma_wait3A_565] : memref<7x1x128x128xf32, #tpu.memory_space<vmem>> -> memref<1x1x128x128xf32, #tpu.memory_space<vmem>>
          %dma_wait3A_567 = tpu.memref_squeeze %dma_wait3A_566 : memref<1x1x128x128xf32, #tpu.memory_space<vmem>> -> memref<1x128x128xf32, #tpu.memory_space<vmem>>
          tpu.wait_dma2 semaphore(%dma_wait3A_559 : memref<!tpu.dma_semaphore, #tpu.memory_space<semaphore_mem>>) src(%dma_wait3A_567 : memref<1x128x128xf32, #tpu.memory_space<vmem>>) dst(%dma_wait3A_562 : memref<1x128x128xf32, #tpu.memory_space<hbm>>)
        } else {
        }
        %add3A_524 = arith.constant 6 : i32
        %add3A_525 = arith.addi %scan3A_268, %add3A_524 : i32
        %mul3A_526 = arith.constant 1 : i32
        %mul3A_527 = arith.muli %add3A_525, %mul3A_526 : i32
        %add3A_528 = arith.constant 0 : i32
        %add3A_529 = arith.addi %mul3A_527, %add3A_528 : i32
        %dma_start3A_530 = arith.constant 0 : i32
        %dma_start3A_531 = arith.constant 0 : i32
        %dma_start3A_532 = arith.constant 0 : i32
        %dma_start3A_533 = arith.constant 0 : i32
        %dma_start3A_534 = tpu.memref_slice %arg6[%rem3A_517, %dma_start3A_530, %dma_start3A_532, %dma_start3A_533] : memref<7x1x128x128xf32, #tpu.memory_space<vmem>> -> memref<1x1x128x128xf32, #tpu.memory_space<vmem>>
        %dma_start3A_535 = tpu.memref_squeeze %dma_start3A_534 : memref<1x1x128x128xf32, #tpu.memory_space<vmem>> -> memref<128x128xf32, #tpu.memory_space<vmem>>
        %dma_start3A_536 = arith.constant 0 : i32
        %dma_start3A_537 = tpu.memref_slice %arg5[%add3A_529, %dma_start3A_536] : memref<50x128xi32, #tpu.memory_space<vmem>> -> memref<1x128xi32, #tpu.memory_space<vmem>>
        %dma_start3A_538 = tpu.memref_squeeze %dma_start3A_537 : memref<1x128xi32, #tpu.memory_space<vmem>> -> memref<128xi32, #tpu.memory_space<vmem>>
        %dma_start3A_539 = arith.constant 0 : i32
        %dma_start3A_540 = arith.constant 0 : i32
        %dma_start3A_541 = tpu.memref_slice %arg2[%dma_start3A_539, %dma_start3A_540] : memref<100000x128xf32, #tpu.memory_space<hbm>> -> memref<100000x128xf32, #tpu.memory_space<hbm>>
        %dma_start3A_542 = tpu.memref_slice %arg7[%rem3A_517, %dma_start3A_531] : memref<7x1x!tpu.dma_semaphore, #tpu.memory_space<semaphore_mem>> -> memref<1x1x!tpu.dma_semaphore, #tpu.memory_space<semaphore_mem>>
        %dma_start3A_543 = tpu.memref_squeeze %dma_start3A_542 : memref<1x1x!tpu.dma_semaphore, #tpu.memory_space<semaphore_mem>> -> memref<!tpu.dma_semaphore, #tpu.memory_space<semaphore_mem>>
        tpu.enqueue_indirect_dma source(%dma_start3A_541 : memref<100000x128xf32, #tpu.memory_space<hbm>>) target(%dma_start3A_535 : memref<128x128xf32, #tpu.memory_space<vmem>>) offsets(%dma_start3A_538 : memref<128xi32, #tpu.memory_space<vmem>>) semaphore(%dma_start3A_543 : memref<!tpu.dma_semaphore, #tpu.memory_space<semaphore_mem>>)
      } else {
      }
      %rem3A_273 = arith.constant 7 : i32
      %rem3A_274 = arith.remsi %scan3A_268, %rem3A_273 : i32
      %mul3A_275 = arith.constant 1 : i32
      %mul3A_276 = arith.muli %scan3A_268, %mul3A_275 : i32
      %add3A_277 = arith.constant 0 : i32
      %add3A_278 = arith.addi %mul3A_276, %add3A_277 : i32
      %dma_wait3A_279 = arith.constant 0 : i32
      %dma_wait3A_280 = arith.constant 0 : i32
      %dma_wait3A_281 = arith.constant 0 : i32
      %dma_wait3A_282 = arith.constant 0 : i32
      %dma_wait3A_283 = tpu.memref_slice %arg6[%rem3A_274, %dma_wait3A_279, %dma_wait3A_281, %dma_wait3A_282] : memref<7x1x128x128xf32, #tpu.memory_space<vmem>> -> memref<1x1x128x128xf32, #tpu.memory_space<vmem>>
      %dma_wait3A_284 = tpu.memref_squeeze %dma_wait3A_283 : memref<1x1x128x128xf32, #tpu.memory_space<vmem>> -> memref<128x128xf32, #tpu.memory_space<vmem>>
      %dma_wait3A_285 = arith.constant 0 : i32
      %dma_wait3A_286 = tpu.memref_slice %arg5[%add3A_278, %dma_wait3A_285] : memref<50x128xi32, #tpu.memory_space<vmem>> -> memref<1x128xi32, #tpu.memory_space<vmem>>
      %dma_wait3A_287 = tpu.memref_squeeze %dma_wait3A_286 : memref<1x128xi32, #tpu.memory_space<vmem>> -> memref<128xi32, #tpu.memory_space<vmem>>
      %dma_wait3A_288 = arith.constant 0 : i32
      %dma_wait3A_289 = arith.constant 0 : i32
      %dma_wait3A_290 = tpu.memref_slice %arg2[%dma_wait3A_288, %dma_wait3A_289] : memref<100000x128xf32, #tpu.memory_space<hbm>> -> memref<100000x128xf32, #tpu.memory_space<hbm>>
      %dma_wait3A_291 = tpu.memref_slice %arg7[%rem3A_274, %dma_wait3A_280] : memref<7x1x!tpu.dma_semaphore, #tpu.memory_space<semaphore_mem>> -> memref<1x1x!tpu.dma_semaphore, #tpu.memory_space<semaphore_mem>>
      %dma_wait3A_292 = tpu.memref_squeeze %dma_wait3A_291 : memref<1x1x!tpu.dma_semaphore, #tpu.memory_space<semaphore_mem>> -> memref<!tpu.dma_semaphore, #tpu.memory_space<semaphore_mem>>
      tpu.wait_indirect_dma semaphore(%dma_wait3A_292 : memref<!tpu.dma_semaphore, #tpu.memory_space<semaphore_mem>>) src(%dma_wait3A_290 : memref<100000x128xf32, #tpu.memory_space<hbm>>) dst(%dma_wait3A_284 : memref<128x128xf32, #tpu.memory_space<vmem>>)
      %mul3A_293 = arith.constant 1 : i32
      %mul3A_294 = arith.muli %scan3A_268, %mul3A_293 : i32
      %add3A_295 = arith.addi %mul3A_2, %mul3A_294 : i32
      %dma_start3A_296 = arith.constant 0 : i32
      %dma_start3A_297 = arith.constant 0 : i32
      %dma_start3A_298 = arith.constant 0 : i32
      %dma_start3A_299 = tpu.memref_slice %arg6[%rem3A_274, %dma_start3A_296, %dma_start3A_297, %dma_start3A_298] : memref<7x1x128x128xf32, #tpu.memory_space<vmem>> -> memref<1x1x128x128xf32, #tpu.memory_space<vmem>>
      %dma_start3A_300 = tpu.memref_squeeze %dma_start3A_299 : memref<1x1x128x128xf32, #tpu.memory_space<vmem>> -> memref<1x128x128xf32, #tpu.memory_space<vmem>>
      %dma_start3A_301 = arith.constant 0 : i32
      %dma_start3A_302 = arith.constant 0 : i32
      %dma_start3A_303 = tpu.memref_slice %arg4[%add3A_295, %dma_start3A_301, %dma_start3A_302] : memref<1600x128x128xf32, #tpu.memory_space<hbm>> -> memref<1x128x128xf32, #tpu.memory_space<hbm>>
      %dma_start3A_304 = tpu.memref_slice %arg8[%rem3A_274] : memref<7x!tpu.dma_semaphore, #tpu.memory_space<semaphore_mem>> -> memref<1x!tpu.dma_semaphore, #tpu.memory_space<semaphore_mem>>
      %dma_start3A_305 = tpu.memref_squeeze %dma_start3A_304 : memref<1x!tpu.dma_semaphore, #tpu.memory_space<semaphore_mem>> -> memref<!tpu.dma_semaphore, #tpu.memory_space<semaphore_mem>>
      %dma_start3A_306 = arith.constant 0 : i32
      %dma_start3A_307 = arith.constant 0 : i32
      %dma_start3A_308 = tpu.memref_slice %arg4[%add3A_295, %dma_start3A_306, %dma_start3A_307] : memref<1600x128x128xf32, #tpu.memory_space<hbm>> -> memref<1x128x128xf32, #tpu.memory_space<hbm>>
      %dma_start3A_309 = arith.constant 0 : i32
      %dma_start3A_310 = arith.constant 0 : i32
      %dma_start3A_311 = arith.constant 0 : i32
      %dma_start3A_312 = tpu.memref_slice %arg6[%rem3A_274, %dma_start3A_309, %dma_start3A_310, %dma_start3A_311] : memref<7x1x128x128xf32, #tpu.memory_space<vmem>> -> memref<1x1x128x128xf32, #tpu.memory_space<vmem>>
      %dma_start3A_313 = tpu.memref_squeeze %dma_start3A_312 : memref<1x1x128x128xf32, #tpu.memory_space<vmem>> -> memref<1x128x128xf32, #tpu.memory_space<vmem>>
      tpu.enqueue_dma source(%dma_start3A_313 : memref<1x128x128xf32, #tpu.memory_space<vmem>>) target(%dma_start3A_308 : memref<1x128x128xf32, #tpu.memory_space<hbm>>) target_semaphore(%dma_start3A_305 : memref<!tpu.dma_semaphore, #tpu.memory_space<semaphore_mem>>)
      %scan3A_314 = arith.constant 1 : i32
      %scan3A_315 = arith.addi %scan3A_268, %scan3A_314 : i32
      %add3A_316 = arith.constant 6 : i32
      %add3A_317 = arith.addi %scan3A_315, %add3A_316 : i32
      %lt3A_318 = arith.constant 50 : i32
      %lt3A_319 = arith.cmpi slt, %add3A_317, %lt3A_318 : i32
      %convert_element_type3A_320 = arith.extui %lt3A_319 : i1 to i32
      %cond3A_321 = arith.constant 0 : i32
      %cond3A_322 = arith.cmpi ne, %convert_element_type3A_320, %cond3A_321 : i32
      scf.if %cond3A_322 {
        %add3A_514 = arith.constant 6 : i32
        %add3A_515 = arith.addi %scan3A_315, %add3A_514 : i32
        %rem3A_516 = arith.constant 7 : i32
        %rem3A_517 = arith.remsi %add3A_515, %rem3A_516 : i32
        %add3A_518 = arith.constant 6 : i32
        %add3A_519 = arith.addi %scan3A_315, %add3A_518 : i32
        %ge3A = arith.constant 7 : i32
        %ge3A_520 = arith.cmpi sge, %add3A_519, %ge3A : i32
        %convert_element_type3A_521 = arith.extui %ge3A_520 : i1 to i32
        %cond3A_522 = arith.constant 0 : i32
        %cond3A_523 = arith.cmpi ne, %convert_element_type3A_521, %cond3A_522 : i32
        scf.if %cond3A_523 {
          %add3A_544 = arith.constant 6 : i32
          %add3A_545 = arith.addi %scan3A_315, %add3A_544 : i32
          %sub3A = arith.constant 7 : i32
          %sub3A_546 = arith.subi %add3A_545, %sub3A : i32
          %mul3A_547 = arith.constant 1 : i32
          %mul3A_548 = arith.muli %sub3A_546, %mul3A_547 : i32
          %add3A_549 = arith.addi %mul3A_2, %mul3A_548 : i32
          %dma_wait3A_550 = arith.constant 0 : i32
          %dma_wait3A_551 = arith.constant 0 : i32
          %dma_wait3A_552 = arith.constant 0 : i32
          %dma_wait3A_553 = tpu.memref_slice %arg6[%rem3A_517, %dma_wait3A_550, %dma_wait3A_551, %dma_wait3A_552] : memref<7x1x128x128xf32, #tpu.memory_space<vmem>> -> memref<1x1x128x128xf32, #tpu.memory_space<vmem>>
          %dma_wait3A_554 = tpu.memref_squeeze %dma_wait3A_553 : memref<1x1x128x128xf32, #tpu.memory_space<vmem>> -> memref<1x128x128xf32, #tpu.memory_space<vmem>>
          %dma_wait3A_555 = arith.constant 0 : i32
          %dma_wait3A_556 = arith.constant 0 : i32
          %dma_wait3A_557 = tpu.memref_slice %arg4[%add3A_549, %dma_wait3A_555, %dma_wait3A_556] : memref<1600x128x128xf32, #tpu.memory_space<hbm>> -> memref<1x128x128xf32, #tpu.memory_space<hbm>>
          %dma_wait3A_558 = tpu.memref_slice %arg8[%rem3A_517] : memref<7x!tpu.dma_semaphore, #tpu.memory_space<semaphore_mem>> -> memref<1x!tpu.dma_semaphore, #tpu.memory_space<semaphore_mem>>
          %dma_wait3A_559 = tpu.memref_squeeze %dma_wait3A_558 : memref<1x!tpu.dma_semaphore, #tpu.memory_space<semaphore_mem>> -> memref<!tpu.dma_semaphore, #tpu.memory_space<semaphore_mem>>
          %dma_wait3A_560 = arith.constant 0 : i32
          %dma_wait3A_561 = arith.constant 0 : i32
          %dma_wait3A_562 = tpu.memref_slice %arg4[%add3A_549, %dma_wait3A_560, %dma_wait3A_561] : memref<1600x128x128xf32, #tpu.memory_space<hbm>> -> memref<1x128x128xf32, #tpu.memory_space<hbm>>
          %dma_wait3A_563 = arith.constant 0 : i32
          %dma_wait3A_564 = arith.constant 0 : i32
          %dma_wait3A_565 = arith.constant 0 : i32
          %dma_wait3A_566 = tpu.memref_slice %arg6[%rem3A_517, %dma_wait3A_563, %dma_wait3A_564, %dma_wait3A_565] : memref<7x1x128x128xf32, #tpu.memory_space<vmem>> -> memref<1x1x128x128xf32, #tpu.memory_space<vmem>>
          %dma_wait3A_567 = tpu.memref_squeeze %dma_wait3A_566 : memref<1x1x128x128xf32, #tpu.memory_space<vmem>> -> memref<1x128x128xf32, #tpu.memory_space<vmem>>
          tpu.wait_dma2 semaphore(%dma_wait3A_559 : memref<!tpu.dma_semaphore, #tpu.memory_space<semaphore_mem>>) src(%dma_wait3A_567 : memref<1x128x128xf32, #tpu.memory_space<vmem>>) dst(%dma_wait3A_562 : memref<1x128x128xf32, #tpu.memory_space<hbm>>)
        } else {
        }
        %add3A_524 = arith.constant 6 : i32
        %add3A_525 = arith.addi %scan3A_315, %add3A_524 : i32
        %mul3A_526 = arith.constant 1 : i32
        %mul3A_527 = arith.muli %add3A_525, %mul3A_526 : i32
        %add3A_528 = arith.constant 0 : i32
        %add3A_529 = arith.addi %mul3A_527, %add3A_528 : i32
        %dma_start3A_530 = arith.constant 0 : i32
        %dma_start3A_531 = arith.constant 0 : i32
        %dma_start3A_532 = arith.constant 0 : i32
        %dma_start3A_533 = arith.constant 0 : i32
        %dma_start3A_534 = tpu.memref_slice %arg6[%rem3A_517, %dma_start3A_530, %dma_start3A_532, %dma_start3A_533] : memref<7x1x128x128xf32, #tpu.memory_space<vmem>> -> memref<1x1x128x128xf32, #tpu.memory_space<vmem>>
        %dma_start3A_535 = tpu.memref_squeeze %dma_start3A_534 : memref<1x1x128x128xf32, #tpu.memory_space<vmem>> -> memref<128x128xf32, #tpu.memory_space<vmem>>
        %dma_start3A_536 = arith.constant 0 : i32
        %dma_start3A_537 = tpu.memref_slice %arg5[%add3A_529, %dma_start3A_536] : memref<50x128xi32, #tpu.memory_space<vmem>> -> memref<1x128xi32, #tpu.memory_space<vmem>>
        %dma_start3A_538 = tpu.memref_squeeze %dma_start3A_537 : memref<1x128xi32, #tpu.memory_space<vmem>> -> memref<128xi32, #tpu.memory_space<vmem>>
        %dma_start3A_539 = arith.constant 0 : i32
        %dma_start3A_540 = arith.constant 0 : i32
        %dma_start3A_541 = tpu.memref_slice %arg2[%dma_start3A_539, %dma_start3A_540] : memref<100000x128xf32, #tpu.memory_space<hbm>> -> memref<100000x128xf32, #tpu.memory_space<hbm>>
        %dma_start3A_542 = tpu.memref_slice %arg7[%rem3A_517, %dma_start3A_531] : memref<7x1x!tpu.dma_semaphore, #tpu.memory_space<semaphore_mem>> -> memref<1x1x!tpu.dma_semaphore, #tpu.memory_space<semaphore_mem>>
        %dma_start3A_543 = tpu.memref_squeeze %dma_start3A_542 : memref<1x1x!tpu.dma_semaphore, #tpu.memory_space<semaphore_mem>> -> memref<!tpu.dma_semaphore, #tpu.memory_space<semaphore_mem>>
        tpu.enqueue_indirect_dma source(%dma_start3A_541 : memref<100000x128xf32, #tpu.memory_space<hbm>>) target(%dma_start3A_535 : memref<128x128xf32, #tpu.memory_space<vmem>>) offsets(%dma_start3A_538 : memref<128xi32, #tpu.memory_space<vmem>>) semaphore(%dma_start3A_543 : memref<!tpu.dma_semaphore, #tpu.memory_space<semaphore_mem>>)
      } else {
      }
      %rem3A_323 = arith.constant 7 : i32
      %rem3A_324 = arith.remsi %scan3A_315, %rem3A_323 : i32
      %mul3A_325 = arith.constant 1 : i32
      %mul3A_326 = arith.muli %scan3A_315, %mul3A_325 : i32
      %add3A_327 = arith.constant 0 : i32
      %add3A_328 = arith.addi %mul3A_326, %add3A_327 : i32
      %dma_wait3A_329 = arith.constant 0 : i32
      %dma_wait3A_330 = arith.constant 0 : i32
      %dma_wait3A_331 = arith.constant 0 : i32
      %dma_wait3A_332 = arith.constant 0 : i32
      %dma_wait3A_333 = tpu.memref_slice %arg6[%rem3A_324, %dma_wait3A_329, %dma_wait3A_331, %dma_wait3A_332] : memref<7x1x128x128xf32, #tpu.memory_space<vmem>> -> memref<1x1x128x128xf32, #tpu.memory_space<vmem>>
      %dma_wait3A_334 = tpu.memref_squeeze %dma_wait3A_333 : memref<1x1x128x128xf32, #tpu.memory_space<vmem>> -> memref<128x128xf32, #tpu.memory_space<vmem>>
      %dma_wait3A_335 = arith.constant 0 : i32
      %dma_wait3A_336 = tpu.memref_slice %arg5[%add3A_328, %dma_wait3A_335] : memref<50x128xi32, #tpu.memory_space<vmem>> -> memref<1x128xi32, #tpu.memory_space<vmem>>
      %dma_wait3A_337 = tpu.memref_squeeze %dma_wait3A_336 : memref<1x128xi32, #tpu.memory_space<vmem>> -> memref<128xi32, #tpu.memory_space<vmem>>
      %dma_wait3A_338 = arith.constant 0 : i32
      %dma_wait3A_339 = arith.constant 0 : i32
      %dma_wait3A_340 = tpu.memref_slice %arg2[%dma_wait3A_338, %dma_wait3A_339] : memref<100000x128xf32, #tpu.memory_space<hbm>> -> memref<100000x128xf32, #tpu.memory_space<hbm>>
      %dma_wait3A_341 = tpu.memref_slice %arg7[%rem3A_324, %dma_wait3A_330] : memref<7x1x!tpu.dma_semaphore, #tpu.memory_space<semaphore_mem>> -> memref<1x1x!tpu.dma_semaphore, #tpu.memory_space<semaphore_mem>>
      %dma_wait3A_342 = tpu.memref_squeeze %dma_wait3A_341 : memref<1x1x!tpu.dma_semaphore, #tpu.memory_space<semaphore_mem>> -> memref<!tpu.dma_semaphore, #tpu.memory_space<semaphore_mem>>
      tpu.wait_indirect_dma semaphore(%dma_wait3A_342 : memref<!tpu.dma_semaphore, #tpu.memory_space<semaphore_mem>>) src(%dma_wait3A_340 : memref<100000x128xf32, #tpu.memory_space<hbm>>) dst(%dma_wait3A_334 : memref<128x128xf32, #tpu.memory_space<vmem>>)
      %mul3A_343 = arith.constant 1 : i32
      %mul3A_344 = arith.muli %scan3A_315, %mul3A_343 : i32
      %add3A_345 = arith.addi %mul3A_2, %mul3A_344 : i32
      %dma_start3A_346 = arith.constant 0 : i32
      %dma_start3A_347 = arith.constant 0 : i32
      %dma_start3A_348 = arith.constant 0 : i32
      %dma_start3A_349 = tpu.memref_slice %arg6[%rem3A_324, %dma_start3A_346, %dma_start3A_347, %dma_start3A_348] : memref<7x1x128x128xf32, #tpu.memory_space<vmem>> -> memref<1x1x128x128xf32, #tpu.memory_space<vmem>>
      %dma_start3A_350 = tpu.memref_squeeze %dma_start3A_349 : memref<1x1x128x128xf32, #tpu.memory_space<vmem>> -> memref<1x128x128xf32, #tpu.memory_space<vmem>>
      %dma_start3A_351 = arith.constant 0 : i32
      %dma_start3A_352 = arith.constant 0 : i32
      %dma_start3A_353 = tpu.memref_slice %arg4[%add3A_345, %dma_start3A_351, %dma_start3A_352] : memref<1600x128x128xf32, #tpu.memory_space<hbm>> -> memref<1x128x128xf32, #tpu.memory_space<hbm>>
      %dma_start3A_354 = tpu.memref_slice %arg8[%rem3A_324] : memref<7x!tpu.dma_semaphore, #tpu.memory_space<semaphore_mem>> -> memref<1x!tpu.dma_semaphore, #tpu.memory_space<semaphore_mem>>
      %dma_start3A_355 = tpu.memref_squeeze %dma_start3A_354 : memref<1x!tpu.dma_semaphore, #tpu.memory_space<semaphore_mem>> -> memref<!tpu.dma_semaphore, #tpu.memory_space<semaphore_mem>>
      %dma_start3A_356 = arith.constant 0 : i32
      %dma_start3A_357 = arith.constant 0 : i32
      %dma_start3A_358 = tpu.memref_slice %arg4[%add3A_345, %dma_start3A_356, %dma_start3A_357] : memref<1600x128x128xf32, #tpu.memory_space<hbm>> -> memref<1x128x128xf32, #tpu.memory_space<hbm>>
      %dma_start3A_359 = arith.constant 0 : i32
      %dma_start3A_360 = arith.constant 0 : i32
      %dma_start3A_361 = arith.constant 0 : i32
      %dma_start3A_362 = tpu.memref_slice %arg6[%rem3A_324, %dma_start3A_359, %dma_start3A_360, %dma_start3A_361] : memref<7x1x128x128xf32, #tpu.memory_space<vmem>> -> memref<1x1x128x128xf32, #tpu.memory_space<vmem>>
      %dma_start3A_363 = tpu.memref_squeeze %dma_start3A_362 : memref<1x1x128x128xf32, #tpu.memory_space<vmem>> -> memref<1x128x128xf32, #tpu.memory_space<vmem>>
      tpu.enqueue_dma source(%dma_start3A_363 : memref<1x128x128xf32, #tpu.memory_space<vmem>>) target(%dma_start3A_358 : memref<1x128x128xf32, #tpu.memory_space<hbm>>) target_semaphore(%dma_start3A_355 : memref<!tpu.dma_semaphore, #tpu.memory_space<semaphore_mem>>)
      %scan3A_364 = arith.constant 2 : i32
      %scan3A_365 = arith.addi %scan3A_268, %scan3A_364 : i32
      %add3A_366 = arith.constant 6 : i32
      %add3A_367 = arith.addi %scan3A_365, %add3A_366 : i32
      %lt3A_368 = arith.constant 50 : i32
      %lt3A_369 = arith.cmpi slt, %add3A_367, %lt3A_368 : i32
      %convert_element_type3A_370 = arith.extui %lt3A_369 : i1 to i32
      %cond3A_371 = arith.constant 0 : i32
      %cond3A_372 = arith.cmpi ne, %convert_element_type3A_370, %cond3A_371 : i32
      scf.if %cond3A_372 {
        %add3A_514 = arith.constant 6 : i32
        %add3A_515 = arith.addi %scan3A_365, %add3A_514 : i32
        %rem3A_516 = arith.constant 7 : i32
        %rem3A_517 = arith.remsi %add3A_515, %rem3A_516 : i32
        %add3A_518 = arith.constant 6 : i32
        %add3A_519 = arith.addi %scan3A_365, %add3A_518 : i32
        %ge3A = arith.constant 7 : i32
        %ge3A_520 = arith.cmpi sge, %add3A_519, %ge3A : i32
        %convert_element_type3A_521 = arith.extui %ge3A_520 : i1 to i32
        %cond3A_522 = arith.constant 0 : i32
        %cond3A_523 = arith.cmpi ne, %convert_element_type3A_521, %cond3A_522 : i32
        scf.if %cond3A_523 {
          %add3A_544 = arith.constant 6 : i32
          %add3A_545 = arith.addi %scan3A_365, %add3A_544 : i32
          %sub3A = arith.constant 7 : i32
          %sub3A_546 = arith.subi %add3A_545, %sub3A : i32
          %mul3A_547 = arith.constant 1 : i32
          %mul3A_548 = arith.muli %sub3A_546, %mul3A_547 : i32
          %add3A_549 = arith.addi %mul3A_2, %mul3A_548 : i32
          %dma_wait3A_550 = arith.constant 0 : i32
          %dma_wait3A_551 = arith.constant 0 : i32
          %dma_wait3A_552 = arith.constant 0 : i32
          %dma_wait3A_553 = tpu.memref_slice %arg6[%rem3A_517, %dma_wait3A_550, %dma_wait3A_551, %dma_wait3A_552] : memref<7x1x128x128xf32, #tpu.memory_space<vmem>> -> memref<1x1x128x128xf32, #tpu.memory_space<vmem>>
          %dma_wait3A_554 = tpu.memref_squeeze %dma_wait3A_553 : memref<1x1x128x128xf32, #tpu.memory_space<vmem>> -> memref<1x128x128xf32, #tpu.memory_space<vmem>>
          %dma_wait3A_555 = arith.constant 0 : i32
          %dma_wait3A_556 = arith.constant 0 : i32
          %dma_wait3A_557 = tpu.memref_slice %arg4[%add3A_549, %dma_wait3A_555, %dma_wait3A_556] : memref<1600x128x128xf32, #tpu.memory_space<hbm>> -> memref<1x128x128xf32, #tpu.memory_space<hbm>>
          %dma_wait3A_558 = tpu.memref_slice %arg8[%rem3A_517] : memref<7x!tpu.dma_semaphore, #tpu.memory_space<semaphore_mem>> -> memref<1x!tpu.dma_semaphore, #tpu.memory_space<semaphore_mem>>
          %dma_wait3A_559 = tpu.memref_squeeze %dma_wait3A_558 : memref<1x!tpu.dma_semaphore, #tpu.memory_space<semaphore_mem>> -> memref<!tpu.dma_semaphore, #tpu.memory_space<semaphore_mem>>
          %dma_wait3A_560 = arith.constant 0 : i32
          %dma_wait3A_561 = arith.constant 0 : i32
          %dma_wait3A_562 = tpu.memref_slice %arg4[%add3A_549, %dma_wait3A_560, %dma_wait3A_561] : memref<1600x128x128xf32, #tpu.memory_space<hbm>> -> memref<1x128x128xf32, #tpu.memory_space<hbm>>
          %dma_wait3A_563 = arith.constant 0 : i32
          %dma_wait3A_564 = arith.constant 0 : i32
          %dma_wait3A_565 = arith.constant 0 : i32
          %dma_wait3A_566 = tpu.memref_slice %arg6[%rem3A_517, %dma_wait3A_563, %dma_wait3A_564, %dma_wait3A_565] : memref<7x1x128x128xf32, #tpu.memory_space<vmem>> -> memref<1x1x128x128xf32, #tpu.memory_space<vmem>>
          %dma_wait3A_567 = tpu.memref_squeeze %dma_wait3A_566 : memref<1x1x128x128xf32, #tpu.memory_space<vmem>> -> memref<1x128x128xf32, #tpu.memory_space<vmem>>
          tpu.wait_dma2 semaphore(%dma_wait3A_559 : memref<!tpu.dma_semaphore, #tpu.memory_space<semaphore_mem>>) src(%dma_wait3A_567 : memref<1x128x128xf32, #tpu.memory_space<vmem>>) dst(%dma_wait3A_562 : memref<1x128x128xf32, #tpu.memory_space<hbm>>)
        } else {
        }
        %add3A_524 = arith.constant 6 : i32
        %add3A_525 = arith.addi %scan3A_365, %add3A_524 : i32
        %mul3A_526 = arith.constant 1 : i32
        %mul3A_527 = arith.muli %add3A_525, %mul3A_526 : i32
        %add3A_528 = arith.constant 0 : i32
        %add3A_529 = arith.addi %mul3A_527, %add3A_528 : i32
        %dma_start3A_530 = arith.constant 0 : i32
        %dma_start3A_531 = arith.constant 0 : i32
        %dma_start3A_532 = arith.constant 0 : i32
        %dma_start3A_533 = arith.constant 0 : i32
        %dma_start3A_534 = tpu.memref_slice %arg6[%rem3A_517, %dma_start3A_530, %dma_start3A_532, %dma_start3A_533] : memref<7x1x128x128xf32, #tpu.memory_space<vmem>> -> memref<1x1x128x128xf32, #tpu.memory_space<vmem>>
        %dma_start3A_535 = tpu.memref_squeeze %dma_start3A_534 : memref<1x1x128x128xf32, #tpu.memory_space<vmem>> -> memref<128x128xf32, #tpu.memory_space<vmem>>
        %dma_start3A_536 = arith.constant 0 : i32
        %dma_start3A_537 = tpu.memref_slice %arg5[%add3A_529, %dma_start3A_536] : memref<50x128xi32, #tpu.memory_space<vmem>> -> memref<1x128xi32, #tpu.memory_space<vmem>>
        %dma_start3A_538 = tpu.memref_squeeze %dma_start3A_537 : memref<1x128xi32, #tpu.memory_space<vmem>> -> memref<128xi32, #tpu.memory_space<vmem>>
        %dma_start3A_539 = arith.constant 0 : i32
        %dma_start3A_540 = arith.constant 0 : i32
        %dma_start3A_541 = tpu.memref_slice %arg2[%dma_start3A_539, %dma_start3A_540] : memref<100000x128xf32, #tpu.memory_space<hbm>> -> memref<100000x128xf32, #tpu.memory_space<hbm>>
        %dma_start3A_542 = tpu.memref_slice %arg7[%rem3A_517, %dma_start3A_531] : memref<7x1x!tpu.dma_semaphore, #tpu.memory_space<semaphore_mem>> -> memref<1x1x!tpu.dma_semaphore, #tpu.memory_space<semaphore_mem>>
        %dma_start3A_543 = tpu.memref_squeeze %dma_start3A_542 : memref<1x1x!tpu.dma_semaphore, #tpu.memory_space<semaphore_mem>> -> memref<!tpu.dma_semaphore, #tpu.memory_space<semaphore_mem>>
        tpu.enqueue_indirect_dma source(%dma_start3A_541 : memref<100000x128xf32, #tpu.memory_space<hbm>>) target(%dma_start3A_535 : memref<128x128xf32, #tpu.memory_space<vmem>>) offsets(%dma_start3A_538 : memref<128xi32, #tpu.memory_space<vmem>>) semaphore(%dma_start3A_543 : memref<!tpu.dma_semaphore, #tpu.memory_space<semaphore_mem>>)
      } else {
      }
      %rem3A_373 = arith.constant 7 : i32
      %rem3A_374 = arith.remsi %scan3A_365, %rem3A_373 : i32
      %mul3A_375 = arith.constant 1 : i32
      %mul3A_376 = arith.muli %scan3A_365, %mul3A_375 : i32
      %add3A_377 = arith.constant 0 : i32
      %add3A_378 = arith.addi %mul3A_376, %add3A_377 : i32
      %dma_wait3A_379 = arith.constant 0 : i32
      %dma_wait3A_380 = arith.constant 0 : i32
      %dma_wait3A_381 = arith.constant 0 : i32
      %dma_wait3A_382 = arith.constant 0 : i32
      %dma_wait3A_383 = tpu.memref_slice %arg6[%rem3A_374, %dma_wait3A_379, %dma_wait3A_381, %dma_wait3A_382] : memref<7x1x128x128xf32, #tpu.memory_space<vmem>> -> memref<1x1x128x128xf32, #tpu.memory_space<vmem>>
      %dma_wait3A_384 = tpu.memref_squeeze %dma_wait3A_383 : memref<1x1x128x128xf32, #tpu.memory_space<vmem>> -> memref<128x128xf32, #tpu.memory_space<vmem>>
      %dma_wait3A_385 = arith.constant 0 : i32
      %dma_wait3A_386 = tpu.memref_slice %arg5[%add3A_378, %dma_wait3A_385] : memref<50x128xi32, #tpu.memory_space<vmem>> -> memref<1x128xi32, #tpu.memory_space<vmem>>
      %dma_wait3A_387 = tpu.memref_squeeze %dma_wait3A_386 : memref<1x128xi32, #tpu.memory_space<vmem>> -> memref<128xi32, #tpu.memory_space<vmem>>
      %dma_wait3A_388 = arith.constant 0 : i32
      %dma_wait3A_389 = arith.constant 0 : i32
      %dma_wait3A_390 = tpu.memref_slice %arg2[%dma_wait3A_388, %dma_wait3A_389] : memref<100000x128xf32, #tpu.memory_space<hbm>> -> memref<100000x128xf32, #tpu.memory_space<hbm>>
      %dma_wait3A_391 = tpu.memref_slice %arg7[%rem3A_374, %dma_wait3A_380] : memref<7x1x!tpu.dma_semaphore, #tpu.memory_space<semaphore_mem>> -> memref<1x1x!tpu.dma_semaphore, #tpu.memory_space<semaphore_mem>>
      %dma_wait3A_392 = tpu.memref_squeeze %dma_wait3A_391 : memref<1x1x!tpu.dma_semaphore, #tpu.memory_space<semaphore_mem>> -> memref<!tpu.dma_semaphore, #tpu.memory_space<semaphore_mem>>
      tpu.wait_indirect_dma semaphore(%dma_wait3A_392 : memref<!tpu.dma_semaphore, #tpu.memory_space<semaphore_mem>>) src(%dma_wait3A_390 : memref<100000x128xf32, #tpu.memory_space<hbm>>) dst(%dma_wait3A_384 : memref<128x128xf32, #tpu.memory_space<vmem>>)
      %mul3A_393 = arith.constant 1 : i32
      %mul3A_394 = arith.muli %scan3A_365, %mul3A_393 : i32
      %add3A_395 = arith.addi %mul3A_2, %mul3A_394 : i32
      %dma_start3A_396 = arith.constant 0 : i32
      %dma_start3A_397 = arith.constant 0 : i32
      %dma_start3A_398 = arith.constant 0 : i32
      %dma_start3A_399 = tpu.memref_slice %arg6[%rem3A_374, %dma_start3A_396, %dma_start3A_397, %dma_start3A_398] : memref<7x1x128x128xf32, #tpu.memory_space<vmem>> -> memref<1x1x128x128xf32, #tpu.memory_space<vmem>>
      %dma_start3A_400 = tpu.memref_squeeze %dma_start3A_399 : memref<1x1x128x128xf32, #tpu.memory_space<vmem>> -> memref<1x128x128xf32, #tpu.memory_space<vmem>>
      %dma_start3A_401 = arith.constant 0 : i32
      %dma_start3A_402 = arith.constant 0 : i32
      %dma_start3A_403 = tpu.memref_slice %arg4[%add3A_395, %dma_start3A_401, %dma_start3A_402] : memref<1600x128x128xf32, #tpu.memory_space<hbm>> -> memref<1x128x128xf32, #tpu.memory_space<hbm>>
      %dma_start3A_404 = tpu.memref_slice %arg8[%rem3A_374] : memref<7x!tpu.dma_semaphore, #tpu.memory_space<semaphore_mem>> -> memref<1x!tpu.dma_semaphore, #tpu.memory_space<semaphore_mem>>
      %dma_start3A_405 = tpu.memref_squeeze %dma_start3A_404 : memref<1x!tpu.dma_semaphore, #tpu.memory_space<semaphore_mem>> -> memref<!tpu.dma_semaphore, #tpu.memory_space<semaphore_mem>>
      %dma_start3A_406 = arith.constant 0 : i32
      %dma_start3A_407 = arith.constant 0 : i32
      %dma_start3A_408 = tpu.memref_slice %arg4[%add3A_395, %dma_start3A_406, %dma_start3A_407] : memref<1600x128x128xf32, #tpu.memory_space<hbm>> -> memref<1x128x128xf32, #tpu.memory_space<hbm>>
      %dma_start3A_409 = arith.constant 0 : i32
      %dma_start3A_410 = arith.constant 0 : i32
      %dma_start3A_411 = arith.constant 0 : i32
      %dma_start3A_412 = tpu.memref_slice %arg6[%rem3A_374, %dma_start3A_409, %dma_start3A_410, %dma_start3A_411] : memref<7x1x128x128xf32, #tpu.memory_space<vmem>> -> memref<1x1x128x128xf32, #tpu.memory_space<vmem>>
      %dma_start3A_413 = tpu.memref_squeeze %dma_start3A_412 : memref<1x1x128x128xf32, #tpu.memory_space<vmem>> -> memref<1x128x128xf32, #tpu.memory_space<vmem>>
      tpu.enqueue_dma source(%dma_start3A_413 : memref<1x128x128xf32, #tpu.memory_space<vmem>>) target(%dma_start3A_408 : memref<1x128x128xf32, #tpu.memory_space<hbm>>) target_semaphore(%dma_start3A_405 : memref<!tpu.dma_semaphore, #tpu.memory_space<semaphore_mem>>)
      %scan3A_414 = arith.constant 3 : i32
      %scan3A_415 = arith.addi %scan3A_268, %scan3A_414 : i32
      %add3A_416 = arith.constant 6 : i32
      %add3A_417 = arith.addi %scan3A_415, %add3A_416 : i32
      %lt3A_418 = arith.constant 50 : i32
      %lt3A_419 = arith.cmpi slt, %add3A_417, %lt3A_418 : i32
      %convert_element_type3A_420 = arith.extui %lt3A_419 : i1 to i32
      %cond3A_421 = arith.constant 0 : i32
      %cond3A_422 = arith.cmpi ne, %convert_element_type3A_420, %cond3A_421 : i32
      scf.if %cond3A_422 {
        %add3A_514 = arith.constant 6 : i32
        %add3A_515 = arith.addi %scan3A_415, %add3A_514 : i32
        %rem3A_516 = arith.constant 7 : i32
        %rem3A_517 = arith.remsi %add3A_515, %rem3A_516 : i32
        %add3A_518 = arith.constant 6 : i32
        %add3A_519 = arith.addi %scan3A_415, %add3A_518 : i32
        %ge3A = arith.constant 7 : i32
        %ge3A_520 = arith.cmpi sge, %add3A_519, %ge3A : i32
        %convert_element_type3A_521 = arith.extui %ge3A_520 : i1 to i32
        %cond3A_522 = arith.constant 0 : i32
        %cond3A_523 = arith.cmpi ne, %convert_element_type3A_521, %cond3A_522 : i32
        scf.if %cond3A_523 {
          %add3A_544 = arith.constant 6 : i32
          %add3A_545 = arith.addi %scan3A_415, %add3A_544 : i32
          %sub3A = arith.constant 7 : i32
          %sub3A_546 = arith.subi %add3A_545, %sub3A : i32
          %mul3A_547 = arith.constant 1 : i32
          %mul3A_548 = arith.muli %sub3A_546, %mul3A_547 : i32
          %add3A_549 = arith.addi %mul3A_2, %mul3A_548 : i32
          %dma_wait3A_550 = arith.constant 0 : i32
          %dma_wait3A_551 = arith.constant 0 : i32
          %dma_wait3A_552 = arith.constant 0 : i32
          %dma_wait3A_553 = tpu.memref_slice %arg6[%rem3A_517, %dma_wait3A_550, %dma_wait3A_551, %dma_wait3A_552] : memref<7x1x128x128xf32, #tpu.memory_space<vmem>> -> memref<1x1x128x128xf32, #tpu.memory_space<vmem>>
          %dma_wait3A_554 = tpu.memref_squeeze %dma_wait3A_553 : memref<1x1x128x128xf32, #tpu.memory_space<vmem>> -> memref<1x128x128xf32, #tpu.memory_space<vmem>>
          %dma_wait3A_555 = arith.constant 0 : i32
          %dma_wait3A_556 = arith.constant 0 : i32
          %dma_wait3A_557 = tpu.memref_slice %arg4[%add3A_549, %dma_wait3A_555, %dma_wait3A_556] : memref<1600x128x128xf32, #tpu.memory_space<hbm>> -> memref<1x128x128xf32, #tpu.memory_space<hbm>>
          %dma_wait3A_558 = tpu.memref_slice %arg8[%rem3A_517] : memref<7x!tpu.dma_semaphore, #tpu.memory_space<semaphore_mem>> -> memref<1x!tpu.dma_semaphore, #tpu.memory_space<semaphore_mem>>
          %dma_wait3A_559 = tpu.memref_squeeze %dma_wait3A_558 : memref<1x!tpu.dma_semaphore, #tpu.memory_space<semaphore_mem>> -> memref<!tpu.dma_semaphore, #tpu.memory_space<semaphore_mem>>
          %dma_wait3A_560 = arith.constant 0 : i32
          %dma_wait3A_561 = arith.constant 0 : i32
          %dma_wait3A_562 = tpu.memref_slice %arg4[%add3A_549, %dma_wait3A_560, %dma_wait3A_561] : memref<1600x128x128xf32, #tpu.memory_space<hbm>> -> memref<1x128x128xf32, #tpu.memory_space<hbm>>
          %dma_wait3A_563 = arith.constant 0 : i32
          %dma_wait3A_564 = arith.constant 0 : i32
          %dma_wait3A_565 = arith.constant 0 : i32
          %dma_wait3A_566 = tpu.memref_slice %arg6[%rem3A_517, %dma_wait3A_563, %dma_wait3A_564, %dma_wait3A_565] : memref<7x1x128x128xf32, #tpu.memory_space<vmem>> -> memref<1x1x128x128xf32, #tpu.memory_space<vmem>>
          %dma_wait3A_567 = tpu.memref_squeeze %dma_wait3A_566 : memref<1x1x128x128xf32, #tpu.memory_space<vmem>> -> memref<1x128x128xf32, #tpu.memory_space<vmem>>
          tpu.wait_dma2 semaphore(%dma_wait3A_559 : memref<!tpu.dma_semaphore, #tpu.memory_space<semaphore_mem>>) src(%dma_wait3A_567 : memref<1x128x128xf32, #tpu.memory_space<vmem>>) dst(%dma_wait3A_562 : memref<1x128x128xf32, #tpu.memory_space<hbm>>)
        } else {
        }
        %add3A_524 = arith.constant 6 : i32
        %add3A_525 = arith.addi %scan3A_415, %add3A_524 : i32
        %mul3A_526 = arith.constant 1 : i32
        %mul3A_527 = arith.muli %add3A_525, %mul3A_526 : i32
        %add3A_528 = arith.constant 0 : i32
        %add3A_529 = arith.addi %mul3A_527, %add3A_528 : i32
        %dma_start3A_530 = arith.constant 0 : i32
        %dma_start3A_531 = arith.constant 0 : i32
        %dma_start3A_532 = arith.constant 0 : i32
        %dma_start3A_533 = arith.constant 0 : i32
        %dma_start3A_534 = tpu.memref_slice %arg6[%rem3A_517, %dma_start3A_530, %dma_start3A_532, %dma_start3A_533] : memref<7x1x128x128xf32, #tpu.memory_space<vmem>> -> memref<1x1x128x128xf32, #tpu.memory_space<vmem>>
        %dma_start3A_535 = tpu.memref_squeeze %dma_start3A_534 : memref<1x1x128x128xf32, #tpu.memory_space<vmem>> -> memref<128x128xf32, #tpu.memory_space<vmem>>
        %dma_start3A_536 = arith.constant 0 : i32
        %dma_start3A_537 = tpu.memref_slice %arg5[%add3A_529, %dma_start3A_536] : memref<50x128xi32, #tpu.memory_space<vmem>> -> memref<1x128xi32, #tpu.memory_space<vmem>>
        %dma_start3A_538 = tpu.memref_squeeze %dma_start3A_537 : memref<1x128xi32, #tpu.memory_space<vmem>> -> memref<128xi32, #tpu.memory_space<vmem>>
        %dma_start3A_539 = arith.constant 0 : i32
        %dma_start3A_540 = arith.constant 0 : i32
        %dma_start3A_541 = tpu.memref_slice %arg2[%dma_start3A_539, %dma_start3A_540] : memref<100000x128xf32, #tpu.memory_space<hbm>> -> memref<100000x128xf32, #tpu.memory_space<hbm>>
        %dma_start3A_542 = tpu.memref_slice %arg7[%rem3A_517, %dma_start3A_531] : memref<7x1x!tpu.dma_semaphore, #tpu.memory_space<semaphore_mem>> -> memref<1x1x!tpu.dma_semaphore, #tpu.memory_space<semaphore_mem>>
        %dma_start3A_543 = tpu.memref_squeeze %dma_start3A_542 : memref<1x1x!tpu.dma_semaphore, #tpu.memory_space<semaphore_mem>> -> memref<!tpu.dma_semaphore, #tpu.memory_space<semaphore_mem>>
        tpu.enqueue_indirect_dma source(%dma_start3A_541 : memref<100000x128xf32, #tpu.memory_space<hbm>>) target(%dma_start3A_535 : memref<128x128xf32, #tpu.memory_space<vmem>>) offsets(%dma_start3A_538 : memref<128xi32, #tpu.memory_space<vmem>>) semaphore(%dma_start3A_543 : memref<!tpu.dma_semaphore, #tpu.memory_space<semaphore_mem>>)
      } else {
      }
      %rem3A_423 = arith.constant 7 : i32
      %rem3A_424 = arith.remsi %scan3A_415, %rem3A_423 : i32
      %mul3A_425 = arith.constant 1 : i32
      %mul3A_426 = arith.muli %scan3A_415, %mul3A_425 : i32
      %add3A_427 = arith.constant 0 : i32
      %add3A_428 = arith.addi %mul3A_426, %add3A_427 : i32
      %dma_wait3A_429 = arith.constant 0 : i32
      %dma_wait3A_430 = arith.constant 0 : i32
      %dma_wait3A_431 = arith.constant 0 : i32
      %dma_wait3A_432 = arith.constant 0 : i32
      %dma_wait3A_433 = tpu.memref_slice %arg6[%rem3A_424, %dma_wait3A_429, %dma_wait3A_431, %dma_wait3A_432] : memref<7x1x128x128xf32, #tpu.memory_space<vmem>> -> memref<1x1x128x128xf32, #tpu.memory_space<vmem>>
      %dma_wait3A_434 = tpu.memref_squeeze %dma_wait3A_433 : memref<1x1x128x128xf32, #tpu.memory_space<vmem>> -> memref<128x128xf32, #tpu.memory_space<vmem>>
      %dma_wait3A_435 = arith.constant 0 : i32
      %dma_wait3A_436 = tpu.memref_slice %arg5[%add3A_428, %dma_wait3A_435] : memref<50x128xi32, #tpu.memory_space<vmem>> -> memref<1x128xi32, #tpu.memory_space<vmem>>
      %dma_wait3A_437 = tpu.memref_squeeze %dma_wait3A_436 : memref<1x128xi32, #tpu.memory_space<vmem>> -> memref<128xi32, #tpu.memory_space<vmem>>
      %dma_wait3A_438 = arith.constant 0 : i32
      %dma_wait3A_439 = arith.constant 0 : i32
      %dma_wait3A_440 = tpu.memref_slice %arg2[%dma_wait3A_438, %dma_wait3A_439] : memref<100000x128xf32, #tpu.memory_space<hbm>> -> memref<100000x128xf32, #tpu.memory_space<hbm>>
      %dma_wait3A_441 = tpu.memref_slice %arg7[%rem3A_424, %dma_wait3A_430] : memref<7x1x!tpu.dma_semaphore, #tpu.memory_space<semaphore_mem>> -> memref<1x1x!tpu.dma_semaphore, #tpu.memory_space<semaphore_mem>>
      %dma_wait3A_442 = tpu.memref_squeeze %dma_wait3A_441 : memref<1x1x!tpu.dma_semaphore, #tpu.memory_space<semaphore_mem>> -> memref<!tpu.dma_semaphore, #tpu.memory_space<semaphore_mem>>
      tpu.wait_indirect_dma semaphore(%dma_wait3A_442 : memref<!tpu.dma_semaphore, #tpu.memory_space<semaphore_mem>>) src(%dma_wait3A_440 : memref<100000x128xf32, #tpu.memory_space<hbm>>) dst(%dma_wait3A_434 : memref<128x128xf32, #tpu.memory_space<vmem>>)
      %mul3A_443 = arith.constant 1 : i32
      %mul3A_444 = arith.muli %scan3A_415, %mul3A_443 : i32
      %add3A_445 = arith.addi %mul3A_2, %mul3A_444 : i32
      %dma_start3A_446 = arith.constant 0 : i32
      %dma_start3A_447 = arith.constant 0 : i32
      %dma_start3A_448 = arith.constant 0 : i32
      %dma_start3A_449 = tpu.memref_slice %arg6[%rem3A_424, %dma_start3A_446, %dma_start3A_447, %dma_start3A_448] : memref<7x1x128x128xf32, #tpu.memory_space<vmem>> -> memref<1x1x128x128xf32, #tpu.memory_space<vmem>>
      %dma_start3A_450 = tpu.memref_squeeze %dma_start3A_449 : memref<1x1x128x128xf32, #tpu.memory_space<vmem>> -> memref<1x128x128xf32, #tpu.memory_space<vmem>>
      %dma_start3A_451 = arith.constant 0 : i32
      %dma_start3A_452 = arith.constant 0 : i32
      %dma_start3A_453 = tpu.memref_slice %arg4[%add3A_445, %dma_start3A_451, %dma_start3A_452] : memref<1600x128x128xf32, #tpu.memory_space<hbm>> -> memref<1x128x128xf32, #tpu.memory_space<hbm>>
      %dma_start3A_454 = tpu.memref_slice %arg8[%rem3A_424] : memref<7x!tpu.dma_semaphore, #tpu.memory_space<semaphore_mem>> -> memref<1x!tpu.dma_semaphore, #tpu.memory_space<semaphore_mem>>
      %dma_start3A_455 = tpu.memref_squeeze %dma_start3A_454 : memref<1x!tpu.dma_semaphore, #tpu.memory_space<semaphore_mem>> -> memref<!tpu.dma_semaphore, #tpu.memory_space<semaphore_mem>>
      %dma_start3A_456 = arith.constant 0 : i32
      %dma_start3A_457 = arith.constant 0 : i32
      %dma_start3A_458 = tpu.memref_slice %arg4[%add3A_445, %dma_start3A_456, %dma_start3A_457] : memref<1600x128x128xf32, #tpu.memory_space<hbm>> -> memref<1x128x128xf32, #tpu.memory_space<hbm>>
      %dma_start3A_459 = arith.constant 0 : i32
      %dma_start3A_460 = arith.constant 0 : i32
      %dma_start3A_461 = arith.constant 0 : i32
      %dma_start3A_462 = tpu.memref_slice %arg6[%rem3A_424, %dma_start3A_459, %dma_start3A_460, %dma_start3A_461] : memref<7x1x128x128xf32, #tpu.memory_space<vmem>> -> memref<1x1x128x128xf32, #tpu.memory_space<vmem>>
      %dma_start3A_463 = tpu.memref_squeeze %dma_start3A_462 : memref<1x1x128x128xf32, #tpu.memory_space<vmem>> -> memref<1x128x128xf32, #tpu.memory_space<vmem>>
      tpu.enqueue_dma source(%dma_start3A_463 : memref<1x128x128xf32, #tpu.memory_space<vmem>>) target(%dma_start3A_458 : memref<1x128x128xf32, #tpu.memory_space<hbm>>) target_semaphore(%dma_start3A_455 : memref<!tpu.dma_semaphore, #tpu.memory_space<semaphore_mem>>)
      %scan3A_464 = arith.constant 4 : i32
      %scan3A_465 = arith.addi %scan3A_268, %scan3A_464 : i32
      %add3A_466 = arith.constant 6 : i32
      %add3A_467 = arith.addi %scan3A_465, %add3A_466 : i32
      %lt3A_468 = arith.constant 50 : i32
      %lt3A_469 = arith.cmpi slt, %add3A_467, %lt3A_468 : i32
      %convert_element_type3A_470 = arith.extui %lt3A_469 : i1 to i32
      %cond3A_471 = arith.constant 0 : i32
      %cond3A_472 = arith.cmpi ne, %convert_element_type3A_470, %cond3A_471 : i32
      scf.if %cond3A_472 {
        %add3A_514 = arith.constant 6 : i32
        %add3A_515 = arith.addi %scan3A_465, %add3A_514 : i32
        %rem3A_516 = arith.constant 7 : i32
        %rem3A_517 = arith.remsi %add3A_515, %rem3A_516 : i32
        %add3A_518 = arith.constant 6 : i32
        %add3A_519 = arith.addi %scan3A_465, %add3A_518 : i32
        %ge3A = arith.constant 7 : i32
        %ge3A_520 = arith.cmpi sge, %add3A_519, %ge3A : i32
        %convert_element_type3A_521 = arith.extui %ge3A_520 : i1 to i32
        %cond3A_522 = arith.constant 0 : i32
        %cond3A_523 = arith.cmpi ne, %convert_element_type3A_521, %cond3A_522 : i32
        scf.if %cond3A_523 {
          %add3A_544 = arith.constant 6 : i32
          %add3A_545 = arith.addi %scan3A_465, %add3A_544 : i32
          %sub3A = arith.constant 7 : i32
          %sub3A_546 = arith.subi %add3A_545, %sub3A : i32
          %mul3A_547 = arith.constant 1 : i32
          %mul3A_548 = arith.muli %sub3A_546, %mul3A_547 : i32
          %add3A_549 = arith.addi %mul3A_2, %mul3A_548 : i32
          %dma_wait3A_550 = arith.constant 0 : i32
          %dma_wait3A_551 = arith.constant 0 : i32
          %dma_wait3A_552 = arith.constant 0 : i32
          %dma_wait3A_553 = tpu.memref_slice %arg6[%rem3A_517, %dma_wait3A_550, %dma_wait3A_551, %dma_wait3A_552] : memref<7x1x128x128xf32, #tpu.memory_space<vmem>> -> memref<1x1x128x128xf32, #tpu.memory_space<vmem>>
          %dma_wait3A_554 = tpu.memref_squeeze %dma_wait3A_553 : memref<1x1x128x128xf32, #tpu.memory_space<vmem>> -> memref<1x128x128xf32, #tpu.memory_space<vmem>>
          %dma_wait3A_555 = arith.constant 0 : i32
          %dma_wait3A_556 = arith.constant 0 : i32
          %dma_wait3A_557 = tpu.memref_slice %arg4[%add3A_549, %dma_wait3A_555, %dma_wait3A_556] : memref<1600x128x128xf32, #tpu.memory_space<hbm>> -> memref<1x128x128xf32, #tpu.memory_space<hbm>>
          %dma_wait3A_558 = tpu.memref_slice %arg8[%rem3A_517] : memref<7x!tpu.dma_semaphore, #tpu.memory_space<semaphore_mem>> -> memref<1x!tpu.dma_semaphore, #tpu.memory_space<semaphore_mem>>
          %dma_wait3A_559 = tpu.memref_squeeze %dma_wait3A_558 : memref<1x!tpu.dma_semaphore, #tpu.memory_space<semaphore_mem>> -> memref<!tpu.dma_semaphore, #tpu.memory_space<semaphore_mem>>
          %dma_wait3A_560 = arith.constant 0 : i32
          %dma_wait3A_561 = arith.constant 0 : i32
          %dma_wait3A_562 = tpu.memref_slice %arg4[%add3A_549, %dma_wait3A_560, %dma_wait3A_561] : memref<1600x128x128xf32, #tpu.memory_space<hbm>> -> memref<1x128x128xf32, #tpu.memory_space<hbm>>
          %dma_wait3A_563 = arith.constant 0 : i32
          %dma_wait3A_564 = arith.constant 0 : i32
          %dma_wait3A_565 = arith.constant 0 : i32
          %dma_wait3A_566 = tpu.memref_slice %arg6[%rem3A_517, %dma_wait3A_563, %dma_wait3A_564, %dma_wait3A_565] : memref<7x1x128x128xf32, #tpu.memory_space<vmem>> -> memref<1x1x128x128xf32, #tpu.memory_space<vmem>>
          %dma_wait3A_567 = tpu.memref_squeeze %dma_wait3A_566 : memref<1x1x128x128xf32, #tpu.memory_space<vmem>> -> memref<1x128x128xf32, #tpu.memory_space<vmem>>
          tpu.wait_dma2 semaphore(%dma_wait3A_559 : memref<!tpu.dma_semaphore, #tpu.memory_space<semaphore_mem>>) src(%dma_wait3A_567 : memref<1x128x128xf32, #tpu.memory_space<vmem>>) dst(%dma_wait3A_562 : memref<1x128x128xf32, #tpu.memory_space<hbm>>)
        } else {
        }
        %add3A_524 = arith.constant 6 : i32
        %add3A_525 = arith.addi %scan3A_465, %add3A_524 : i32
        %mul3A_526 = arith.constant 1 : i32
        %mul3A_527 = arith.muli %add3A_525, %mul3A_526 : i32
        %add3A_528 = arith.constant 0 : i32
        %add3A_529 = arith.addi %mul3A_527, %add3A_528 : i32
        %dma_start3A_530 = arith.constant 0 : i32
        %dma_start3A_531 = arith.constant 0 : i32
        %dma_start3A_532 = arith.constant 0 : i32
        %dma_start3A_533 = arith.constant 0 : i32
        %dma_start3A_534 = tpu.memref_slice %arg6[%rem3A_517, %dma_start3A_530, %dma_start3A_532, %dma_start3A_533] : memref<7x1x128x128xf32, #tpu.memory_space<vmem>> -> memref<1x1x128x128xf32, #tpu.memory_space<vmem>>
        %dma_start3A_535 = tpu.memref_squeeze %dma_start3A_534 : memref<1x1x128x128xf32, #tpu.memory_space<vmem>> -> memref<128x128xf32, #tpu.memory_space<vmem>>
        %dma_start3A_536 = arith.constant 0 : i32
        %dma_start3A_537 = tpu.memref_slice %arg5[%add3A_529, %dma_start3A_536] : memref<50x128xi32, #tpu.memory_space<vmem>> -> memref<1x128xi32, #tpu.memory_space<vmem>>
        %dma_start3A_538 = tpu.memref_squeeze %dma_start3A_537 : memref<1x128xi32, #tpu.memory_space<vmem>> -> memref<128xi32, #tpu.memory_space<vmem>>
        %dma_start3A_539 = arith.constant 0 : i32
        %dma_start3A_540 = arith.constant 0 : i32
        %dma_start3A_541 = tpu.memref_slice %arg2[%dma_start3A_539, %dma_start3A_540] : memref<100000x128xf32, #tpu.memory_space<hbm>> -> memref<100000x128xf32, #tpu.memory_space<hbm>>
        %dma_start3A_542 = tpu.memref_slice %arg7[%rem3A_517, %dma_start3A_531] : memref<7x1x!tpu.dma_semaphore, #tpu.memory_space<semaphore_mem>> -> memref<1x1x!tpu.dma_semaphore, #tpu.memory_space<semaphore_mem>>
        %dma_start3A_543 = tpu.memref_squeeze %dma_start3A_542 : memref<1x1x!tpu.dma_semaphore, #tpu.memory_space<semaphore_mem>> -> memref<!tpu.dma_semaphore, #tpu.memory_space<semaphore_mem>>
        tpu.enqueue_indirect_dma source(%dma_start3A_541 : memref<100000x128xf32, #tpu.memory_space<hbm>>) target(%dma_start3A_535 : memref<128x128xf32, #tpu.memory_space<vmem>>) offsets(%dma_start3A_538 : memref<128xi32, #tpu.memory_space<vmem>>) semaphore(%dma_start3A_543 : memref<!tpu.dma_semaphore, #tpu.memory_space<semaphore_mem>>)
      } else {
      }
      %rem3A_473 = arith.constant 7 : i32
      %rem3A_474 = arith.remsi %scan3A_465, %rem3A_473 : i32
      %mul3A_475 = arith.constant 1 : i32
      %mul3A_476 = arith.muli %scan3A_465, %mul3A_475 : i32
      %add3A_477 = arith.constant 0 : i32
      %add3A_478 = arith.addi %mul3A_476, %add3A_477 : i32
      %dma_wait3A_479 = arith.constant 0 : i32
      %dma_wait3A_480 = arith.constant 0 : i32
      %dma_wait3A_481 = arith.constant 0 : i32
      %dma_wait3A_482 = arith.constant 0 : i32
      %dma_wait3A_483 = tpu.memref_slice %arg6[%rem3A_474, %dma_wait3A_479, %dma_wait3A_481, %dma_wait3A_482] : memref<7x1x128x128xf32, #tpu.memory_space<vmem>> -> memref<1x1x128x128xf32, #tpu.memory_space<vmem>>
      %dma_wait3A_484 = tpu.memref_squeeze %dma_wait3A_483 : memref<1x1x128x128xf32, #tpu.memory_space<vmem>> -> memref<128x128xf32, #tpu.memory_space<vmem>>
      %dma_wait3A_485 = arith.constant 0 : i32
      %dma_wait3A_486 = tpu.memref_slice %arg5[%add3A_478, %dma_wait3A_485] : memref<50x128xi32, #tpu.memory_space<vmem>> -> memref<1x128xi32, #tpu.memory_space<vmem>>
      %dma_wait3A_487 = tpu.memref_squeeze %dma_wait3A_486 : memref<1x128xi32, #tpu.memory_space<vmem>> -> memref<128xi32, #tpu.memory_space<vmem>>
      %dma_wait3A_488 = arith.constant 0 : i32
      %dma_wait3A_489 = arith.constant 0 : i32
      %dma_wait3A_490 = tpu.memref_slice %arg2[%dma_wait3A_488, %dma_wait3A_489] : memref<100000x128xf32, #tpu.memory_space<hbm>> -> memref<100000x128xf32, #tpu.memory_space<hbm>>
      %dma_wait3A_491 = tpu.memref_slice %arg7[%rem3A_474, %dma_wait3A_480] : memref<7x1x!tpu.dma_semaphore, #tpu.memory_space<semaphore_mem>> -> memref<1x1x!tpu.dma_semaphore, #tpu.memory_space<semaphore_mem>>
      %dma_wait3A_492 = tpu.memref_squeeze %dma_wait3A_491 : memref<1x1x!tpu.dma_semaphore, #tpu.memory_space<semaphore_mem>> -> memref<!tpu.dma_semaphore, #tpu.memory_space<semaphore_mem>>
      tpu.wait_indirect_dma semaphore(%dma_wait3A_492 : memref<!tpu.dma_semaphore, #tpu.memory_space<semaphore_mem>>) src(%dma_wait3A_490 : memref<100000x128xf32, #tpu.memory_space<hbm>>) dst(%dma_wait3A_484 : memref<128x128xf32, #tpu.memory_space<vmem>>)
      %mul3A_493 = arith.constant 1 : i32
      %mul3A_494 = arith.muli %scan3A_465, %mul3A_493 : i32
      %add3A_495 = arith.addi %mul3A_2, %mul3A_494 : i32
      %dma_start3A_496 = arith.constant 0 : i32
      %dma_start3A_497 = arith.constant 0 : i32
      %dma_start3A_498 = arith.constant 0 : i32
      %dma_start3A_499 = tpu.memref_slice %arg6[%rem3A_474, %dma_start3A_496, %dma_start3A_497, %dma_start3A_498] : memref<7x1x128x128xf32, #tpu.memory_space<vmem>> -> memref<1x1x128x128xf32, #tpu.memory_space<vmem>>
      %dma_start3A_500 = tpu.memref_squeeze %dma_start3A_499 : memref<1x1x128x128xf32, #tpu.memory_space<vmem>> -> memref<1x128x128xf32, #tpu.memory_space<vmem>>
      %dma_start3A_501 = arith.constant 0 : i32
      %dma_start3A_502 = arith.constant 0 : i32
      %dma_start3A_503 = tpu.memref_slice %arg4[%add3A_495, %dma_start3A_501, %dma_start3A_502] : memref<1600x128x128xf32, #tpu.memory_space<hbm>> -> memref<1x128x128xf32, #tpu.memory_space<hbm>>
      %dma_start3A_504 = tpu.memref_slice %arg8[%rem3A_474] : memref<7x!tpu.dma_semaphore, #tpu.memory_space<semaphore_mem>> -> memref<1x!tpu.dma_semaphore, #tpu.memory_space<semaphore_mem>>
      %dma_start3A_505 = tpu.memref_squeeze %dma_start3A_504 : memref<1x!tpu.dma_semaphore, #tpu.memory_space<semaphore_mem>> -> memref<!tpu.dma_semaphore, #tpu.memory_space<semaphore_mem>>
      %dma_start3A_506 = arith.constant 0 : i32
      %dma_start3A_507 = arith.constant 0 : i32
      %dma_start3A_508 = tpu.memref_slice %arg4[%add3A_495, %dma_start3A_506, %dma_start3A_507] : memref<1600x128x128xf32, #tpu.memory_space<hbm>> -> memref<1x128x128xf32, #tpu.memory_space<hbm>>
      %dma_start3A_509 = arith.constant 0 : i32
      %dma_start3A_510 = arith.constant 0 : i32
      %dma_start3A_511 = arith.constant 0 : i32
      %dma_start3A_512 = tpu.memref_slice %arg6[%rem3A_474, %dma_start3A_509, %dma_start3A_510, %dma_start3A_511] : memref<7x1x128x128xf32, #tpu.memory_space<vmem>> -> memref<1x1x128x128xf32, #tpu.memory_space<vmem>>
      %dma_start3A_513 = tpu.memref_squeeze %dma_start3A_512 : memref<1x1x128x128xf32, #tpu.memory_space<vmem>> -> memref<1x128x128xf32, #tpu.memory_space<vmem>>
      tpu.enqueue_dma source(%dma_start3A_513 : memref<1x128x128xf32, #tpu.memory_space<vmem>>) target(%dma_start3A_508 : memref<1x128x128xf32, #tpu.memory_space<hbm>>) target_semaphore(%dma_start3A_505 : memref<!tpu.dma_semaphore, #tpu.memory_space<semaphore_mem>>)
    }
    %scan3A_108 = arith.constant 50 : i32
    %rem3A = arith.constant 43 : i32
    %rem3A_109 = arith.constant 7 : i32
    %rem3A_110 = arith.remsi %rem3A, %rem3A_109 : i32
    %add3A_111 = arith.constant 43 : i32
    %add3A_112 = arith.addi %mul3A_2, %add3A_111 : i32
    %dma_wait3A = arith.constant 0 : i32
    %dma_wait3A_113 = arith.constant 0 : i32
    %dma_wait3A_114 = arith.constant 0 : i32
    %dma_wait3A_115 = tpu.memref_slice %arg6[%rem3A_110, %dma_wait3A, %dma_wait3A_113, %dma_wait3A_114] : memref<7x1x128x128xf32, #tpu.memory_space<vmem>> -> memref<1x1x128x128xf32, #tpu.memory_space<vmem>>
    %dma_wait3A_116 = tpu.memref_squeeze %dma_wait3A_115 : memref<1x1x128x128xf32, #tpu.memory_space<vmem>> -> memref<1x128x128xf32, #tpu.memory_space<vmem>>
    %dma_wait3A_117 = arith.constant 0 : i32
    %dma_wait3A_118 = arith.constant 0 : i32
    %dma_wait3A_119 = tpu.memref_slice %arg4[%add3A_112, %dma_wait3A_117, %dma_wait3A_118] : memref<1600x128x128xf32, #tpu.memory_space<hbm>> -> memref<1x128x128xf32, #tpu.memory_space<hbm>>
    %dma_wait3A_120 = tpu.memref_slice %arg8[%rem3A_110] : memref<7x!tpu.dma_semaphore, #tpu.memory_space<semaphore_mem>> -> memref<1x!tpu.dma_semaphore, #tpu.memory_space<semaphore_mem>>
    %dma_wait3A_121 = tpu.memref_squeeze %dma_wait3A_120 : memref<1x!tpu.dma_semaphore, #tpu.memory_space<semaphore_mem>> -> memref<!tpu.dma_semaphore, #tpu.memory_space<semaphore_mem>>
    %dma_wait3A_122 = arith.constant 0 : i32
    %dma_wait3A_123 = arith.constant 0 : i32
    %dma_wait3A_124 = tpu.memref_slice %arg4[%add3A_112, %dma_wait3A_122, %dma_wait3A_123] : memref<1600x128x128xf32, #tpu.memory_space<hbm>> -> memref<1x128x128xf32, #tpu.memory_space<hbm>>
    %dma_wait3A_125 = arith.constant 0 : i32
    %dma_wait3A_126 = arith.constant 0 : i32
    %dma_wait3A_127 = arith.constant 0 : i32
    %dma_wait3A_128 = tpu.memref_slice %arg6[%rem3A_110, %dma_wait3A_125, %dma_wait3A_126, %dma_wait3A_127] : memref<7x1x128x128xf32, #tpu.memory_space<vmem>> -> memref<1x1x128x128xf32, #tpu.memory_space<vmem>>
    %dma_wait3A_129 = tpu.memref_squeeze %dma_wait3A_128 : memref<1x1x128x128xf32, #tpu.memory_space<vmem>> -> memref<1x128x128xf32, #tpu.memory_space<vmem>>
    tpu.wait_dma2 semaphore(%dma_wait3A_121 : memref<!tpu.dma_semaphore, #tpu.memory_space<semaphore_mem>>) src(%dma_wait3A_129 : memref<1x128x128xf32, #tpu.memory_space<vmem>>) dst(%dma_wait3A_124 : memref<1x128x128xf32, #tpu.memory_space<hbm>>)
    %rem3A_130 = arith.constant 44 : i32
    %rem3A_131 = arith.constant 7 : i32
    %rem3A_132 = arith.remsi %rem3A_130, %rem3A_131 : i32
    %add3A_133 = arith.constant 44 : i32
    %add3A_134 = arith.addi %mul3A_2, %add3A_133 : i32
    %dma_wait3A_135 = arith.constant 0 : i32
    %dma_wait3A_136 = arith.constant 0 : i32
    %dma_wait3A_137 = arith.constant 0 : i32
    %dma_wait3A_138 = tpu.memref_slice %arg6[%rem3A_132, %dma_wait3A_135, %dma_wait3A_136, %dma_wait3A_137] : memref<7x1x128x128xf32, #tpu.memory_space<vmem>> -> memref<1x1x128x128xf32, #tpu.memory_space<vmem>>
    %dma_wait3A_139 = tpu.memref_squeeze %dma_wait3A_138 : memref<1x1x128x128xf32, #tpu.memory_space<vmem>> -> memref<1x128x128xf32, #tpu.memory_space<vmem>>
    %dma_wait3A_140 = arith.constant 0 : i32
    %dma_wait3A_141 = arith.constant 0 : i32
    %dma_wait3A_142 = tpu.memref_slice %arg4[%add3A_134, %dma_wait3A_140, %dma_wait3A_141] : memref<1600x128x128xf32, #tpu.memory_space<hbm>> -> memref<1x128x128xf32, #tpu.memory_space<hbm>>
    %dma_wait3A_143 = tpu.memref_slice %arg8[%rem3A_132] : memref<7x!tpu.dma_semaphore, #tpu.memory_space<semaphore_mem>> -> memref<1x!tpu.dma_semaphore, #tpu.memory_space<semaphore_mem>>
    %dma_wait3A_144 = tpu.memref_squeeze %dma_wait3A_143 : memref<1x!tpu.dma_semaphore, #tpu.memory_space<semaphore_mem>> -> memref<!tpu.dma_semaphore, #tpu.memory_space<semaphore_mem>>
    %dma_wait3A_145 = arith.constant 0 : i32
    %dma_wait3A_146 = arith.constant 0 : i32
    %dma_wait3A_147 = tpu.memref_slice %arg4[%add3A_134, %dma_wait3A_145, %dma_wait3A_146] : memref<1600x128x128xf32, #tpu.memory_space<hbm>> -> memref<1x128x128xf32, #tpu.memory_space<hbm>>
    %dma_wait3A_148 = arith.constant 0 : i32
    %dma_wait3A_149 = arith.constant 0 : i32
    %dma_wait3A_150 = arith.constant 0 : i32
    %dma_wait3A_151 = tpu.memref_slice %arg6[%rem3A_132, %dma_wait3A_148, %dma_wait3A_149, %dma_wait3A_150] : memref<7x1x128x128xf32, #tpu.memory_space<vmem>> -> memref<1x1x128x128xf32, #tpu.memory_space<vmem>>
    %dma_wait3A_152 = tpu.memref_squeeze %dma_wait3A_151 : memref<1x1x128x128xf32, #tpu.memory_space<vmem>> -> memref<1x128x128xf32, #tpu.memory_space<vmem>>
    tpu.wait_dma2 semaphore(%dma_wait3A_144 : memref<!tpu.dma_semaphore, #tpu.memory_space<semaphore_mem>>) src(%dma_wait3A_152 : memref<1x128x128xf32, #tpu.memory_space<vmem>>) dst(%dma_wait3A_147 : memref<1x128x128xf32, #tpu.memory_space<hbm>>)
    %rem3A_153 = arith.constant 45 : i32
    %rem3A_154 = arith.constant 7 : i32
    %rem3A_155 = arith.remsi %rem3A_153, %rem3A_154 : i32
    %add3A_156 = arith.constant 45 : i32
    %add3A_157 = arith.addi %mul3A_2, %add3A_156 : i32
    %dma_wait3A_158 = arith.constant 0 : i32
    %dma_wait3A_159 = arith.constant 0 : i32
    %dma_wait3A_160 = arith.constant 0 : i32
    %dma_wait3A_161 = tpu.memref_slice %arg6[%rem3A_155, %dma_wait3A_158, %dma_wait3A_159, %dma_wait3A_160] : memref<7x1x128x128xf32, #tpu.memory_space<vmem>> -> memref<1x1x128x128xf32, #tpu.memory_space<vmem>>
    %dma_wait3A_162 = tpu.memref_squeeze %dma_wait3A_161 : memref<1x1x128x128xf32, #tpu.memory_space<vmem>> -> memref<1x128x128xf32, #tpu.memory_space<vmem>>
    %dma_wait3A_163 = arith.constant 0 : i32
    %dma_wait3A_164 = arith.constant 0 : i32
    %dma_wait3A_165 = tpu.memref_slice %arg4[%add3A_157, %dma_wait3A_163, %dma_wait3A_164] : memref<1600x128x128xf32, #tpu.memory_space<hbm>> -> memref<1x128x128xf32, #tpu.memory_space<hbm>>
    %dma_wait3A_166 = tpu.memref_slice %arg8[%rem3A_155] : memref<7x!tpu.dma_semaphore, #tpu.memory_space<semaphore_mem>> -> memref<1x!tpu.dma_semaphore, #tpu.memory_space<semaphore_mem>>
    %dma_wait3A_167 = tpu.memref_squeeze %dma_wait3A_166 : memref<1x!tpu.dma_semaphore, #tpu.memory_space<semaphore_mem>> -> memref<!tpu.dma_semaphore, #tpu.memory_space<semaphore_mem>>
    %dma_wait3A_168 = arith.constant 0 : i32
    %dma_wait3A_169 = arith.constant 0 : i32
    %dma_wait3A_170 = tpu.memref_slice %arg4[%add3A_157, %dma_wait3A_168, %dma_wait3A_169] : memref<1600x128x128xf32, #tpu.memory_space<hbm>> -> memref<1x128x128xf32, #tpu.memory_space<hbm>>
    %dma_wait3A_171 = arith.constant 0 : i32
    %dma_wait3A_172 = arith.constant 0 : i32
    %dma_wait3A_173 = arith.constant 0 : i32
    %dma_wait3A_174 = tpu.memref_slice %arg6[%rem3A_155, %dma_wait3A_171, %dma_wait3A_172, %dma_wait3A_173] : memref<7x1x128x128xf32, #tpu.memory_space<vmem>> -> memref<1x1x128x128xf32, #tpu.memory_space<vmem>>
    %dma_wait3A_175 = tpu.memref_squeeze %dma_wait3A_174 : memref<1x1x128x128xf32, #tpu.memory_space<vmem>> -> memref<1x128x128xf32, #tpu.memory_space<vmem>>
    tpu.wait_dma2 semaphore(%dma_wait3A_167 : memref<!tpu.dma_semaphore, #tpu.memory_space<semaphore_mem>>) src(%dma_wait3A_175 : memref<1x128x128xf32, #tpu.memory_space<vmem>>) dst(%dma_wait3A_170 : memref<1x128x128xf32, #tpu.memory_space<hbm>>)
    %rem3A_176 = arith.constant 46 : i32
    %rem3A_177 = arith.constant 7 : i32
    %rem3A_178 = arith.remsi %rem3A_176, %rem3A_177 : i32
    %add3A_179 = arith.constant 46 : i32
    %add3A_180 = arith.addi %mul3A_2, %add3A_179 : i32
    %dma_wait3A_181 = arith.constant 0 : i32
    %dma_wait3A_182 = arith.constant 0 : i32
    %dma_wait3A_183 = arith.constant 0 : i32
    %dma_wait3A_184 = tpu.memref_slice %arg6[%rem3A_178, %dma_wait3A_181, %dma_wait3A_182, %dma_wait3A_183] : memref<7x1x128x128xf32, #tpu.memory_space<vmem>> -> memref<1x1x128x128xf32, #tpu.memory_space<vmem>>
    %dma_wait3A_185 = tpu.memref_squeeze %dma_wait3A_184 : memref<1x1x128x128xf32, #tpu.memory_space<vmem>> -> memref<1x128x128xf32, #tpu.memory_space<vmem>>
    %dma_wait3A_186 = arith.constant 0 : i32
    %dma_wait3A_187 = arith.constant 0 : i32
    %dma_wait3A_188 = tpu.memref_slice %arg4[%add3A_180, %dma_wait3A_186, %dma_wait3A_187] : memref<1600x128x128xf32, #tpu.memory_space<hbm>> -> memref<1x128x128xf32, #tpu.memory_space<hbm>>
    %dma_wait3A_189 = tpu.memref_slice %arg8[%rem3A_178] : memref<7x!tpu.dma_semaphore, #tpu.memory_space<semaphore_mem>> -> memref<1x!tpu.dma_semaphore, #tpu.memory_space<semaphore_mem>>
    %dma_wait3A_190 = tpu.memref_squeeze %dma_wait3A_189 : memref<1x!tpu.dma_semaphore, #tpu.memory_space<semaphore_mem>> -> memref<!tpu.dma_semaphore, #tpu.memory_space<semaphore_mem>>
    %dma_wait3A_191 = arith.constant 0 : i32
    %dma_wait3A_192 = arith.constant 0 : i32
    %dma_wait3A_193 = tpu.memref_slice %arg4[%add3A_180, %dma_wait3A_191, %dma_wait3A_192] : memref<1600x128x128xf32, #tpu.memory_space<hbm>> -> memref<1x128x128xf32, #tpu.memory_space<hbm>>
    %dma_wait3A_194 = arith.constant 0 : i32
    %dma_wait3A_195 = arith.constant 0 : i32
    %dma_wait3A_196 = arith.constant 0 : i32
    %dma_wait3A_197 = tpu.memref_slice %arg6[%rem3A_178, %dma_wait3A_194, %dma_wait3A_195, %dma_wait3A_196] : memref<7x1x128x128xf32, #tpu.memory_space<vmem>> -> memref<1x1x128x128xf32, #tpu.memory_space<vmem>>
    %dma_wait3A_198 = tpu.memref_squeeze %dma_wait3A_197 : memref<1x1x128x128xf32, #tpu.memory_space<vmem>> -> memref<1x128x128xf32, #tpu.memory_space<vmem>>
    tpu.wait_dma2 semaphore(%dma_wait3A_190 : memref<!tpu.dma_semaphore, #tpu.memory_space<semaphore_mem>>) src(%dma_wait3A_198 : memref<1x128x128xf32, #tpu.memory_space<vmem>>) dst(%dma_wait3A_193 : memref<1x128x128xf32, #tpu.memory_space<hbm>>)
    %rem3A_199 = arith.constant 47 : i32
    %rem3A_200 = arith.constant 7 : i32
    %rem3A_201 = arith.remsi %rem3A_199, %rem3A_200 : i32
    %add3A_202 = arith.constant 47 : i32
    %add3A_203 = arith.addi %mul3A_2, %add3A_202 : i32
    %dma_wait3A_204 = arith.constant 0 : i32
    %dma_wait3A_205 = arith.constant 0 : i32
    %dma_wait3A_206 = arith.constant 0 : i32
    %dma_wait3A_207 = tpu.memref_slice %arg6[%rem3A_201, %dma_wait3A_204, %dma_wait3A_205, %dma_wait3A_206] : memref<7x1x128x128xf32, #tpu.memory_space<vmem>> -> memref<1x1x128x128xf32, #tpu.memory_space<vmem>>
    %dma_wait3A_208 = tpu.memref_squeeze %dma_wait3A_207 : memref<1x1x128x128xf32, #tpu.memory_space<vmem>> -> memref<1x128x128xf32, #tpu.memory_space<vmem>>
    %dma_wait3A_209 = arith.constant 0 : i32
    %dma_wait3A_210 = arith.constant 0 : i32
    %dma_wait3A_211 = tpu.memref_slice %arg4[%add3A_203, %dma_wait3A_209, %dma_wait3A_210] : memref<1600x128x128xf32, #tpu.memory_space<hbm>> -> memref<1x128x128xf32, #tpu.memory_space<hbm>>
    %dma_wait3A_212 = tpu.memref_slice %arg8[%rem3A_201] : memref<7x!tpu.dma_semaphore, #tpu.memory_space<semaphore_mem>> -> memref<1x!tpu.dma_semaphore, #tpu.memory_space<semaphore_mem>>
    %dma_wait3A_213 = tpu.memref_squeeze %dma_wait3A_212 : memref<1x!tpu.dma_semaphore, #tpu.memory_space<semaphore_mem>> -> memref<!tpu.dma_semaphore, #tpu.memory_space<semaphore_mem>>
    %dma_wait3A_214 = arith.constant 0 : i32
    %dma_wait3A_215 = arith.constant 0 : i32
    %dma_wait3A_216 = tpu.memref_slice %arg4[%add3A_203, %dma_wait3A_214, %dma_wait3A_215] : memref<1600x128x128xf32, #tpu.memory_space<hbm>> -> memref<1x128x128xf32, #tpu.memory_space<hbm>>
    %dma_wait3A_217 = arith.constant 0 : i32
    %dma_wait3A_218 = arith.constant 0 : i32
    %dma_wait3A_219 = arith.constant 0 : i32
    %dma_wait3A_220 = tpu.memref_slice %arg6[%rem3A_201, %dma_wait3A_217, %dma_wait3A_218, %dma_wait3A_219] : memref<7x1x128x128xf32, #tpu.memory_space<vmem>> -> memref<1x1x128x128xf32, #tpu.memory_space<vmem>>
    %dma_wait3A_221 = tpu.memref_squeeze %dma_wait3A_220 : memref<1x1x128x128xf32, #tpu.memory_space<vmem>> -> memref<1x128x128xf32, #tpu.memory_space<vmem>>
    tpu.wait_dma2 semaphore(%dma_wait3A_213 : memref<!tpu.dma_semaphore, #tpu.memory_space<semaphore_mem>>) src(%dma_wait3A_221 : memref<1x128x128xf32, #tpu.memory_space<vmem>>) dst(%dma_wait3A_216 : memref<1x128x128xf32, #tpu.memory_space<hbm>>)
    %rem3A_222 = arith.constant 48 : i32
    %rem3A_223 = arith.constant 7 : i32
    %rem3A_224 = arith.remsi %rem3A_222, %rem3A_223 : i32
    %add3A_225 = arith.constant 48 : i32
    %add3A_226 = arith.addi %mul3A_2, %add3A_225 : i32
    %dma_wait3A_227 = arith.constant 0 : i32
    %dma_wait3A_228 = arith.constant 0 : i32
    %dma_wait3A_229 = arith.constant 0 : i32
    %dma_wait3A_230 = tpu.memref_slice %arg6[%rem3A_224, %dma_wait3A_227, %dma_wait3A_228, %dma_wait3A_229] : memref<7x1x128x128xf32, #tpu.memory_space<vmem>> -> memref<1x1x128x128xf32, #tpu.memory_space<vmem>>
    %dma_wait3A_231 = tpu.memref_squeeze %dma_wait3A_230 : memref<1x1x128x128xf32, #tpu.memory_space<vmem>> -> memref<1x128x128xf32, #tpu.memory_space<vmem>>
    %dma_wait3A_232 = arith.constant 0 : i32
    %dma_wait3A_233 = arith.constant 0 : i32
    %dma_wait3A_234 = tpu.memref_slice %arg4[%add3A_226, %dma_wait3A_232, %dma_wait3A_233] : memref<1600x128x128xf32, #tpu.memory_space<hbm>> -> memref<1x128x128xf32, #tpu.memory_space<hbm>>
    %dma_wait3A_235 = tpu.memref_slice %arg8[%rem3A_224] : memref<7x!tpu.dma_semaphore, #tpu.memory_space<semaphore_mem>> -> memref<1x!tpu.dma_semaphore, #tpu.memory_space<semaphore_mem>>
    %dma_wait3A_236 = tpu.memref_squeeze %dma_wait3A_235 : memref<1x!tpu.dma_semaphore, #tpu.memory_space<semaphore_mem>> -> memref<!tpu.dma_semaphore, #tpu.memory_space<semaphore_mem>>
    %dma_wait3A_237 = arith.constant 0 : i32
    %dma_wait3A_238 = arith.constant 0 : i32
    %dma_wait3A_239 = tpu.memref_slice %arg4[%add3A_226, %dma_wait3A_237, %dma_wait3A_238] : memref<1600x128x128xf32, #tpu.memory_space<hbm>> -> memref<1x128x128xf32, #tpu.memory_space<hbm>>
    %dma_wait3A_240 = arith.constant 0 : i32
    %dma_wait3A_241 = arith.constant 0 : i32
    %dma_wait3A_242 = arith.constant 0 : i32
    %dma_wait3A_243 = tpu.memref_slice %arg6[%rem3A_224, %dma_wait3A_240, %dma_wait3A_241, %dma_wait3A_242] : memref<7x1x128x128xf32, #tpu.memory_space<vmem>> -> memref<1x1x128x128xf32, #tpu.memory_space<vmem>>
    %dma_wait3A_244 = tpu.memref_squeeze %dma_wait3A_243 : memref<1x1x128x128xf32, #tpu.memory_space<vmem>> -> memref<1x128x128xf32, #tpu.memory_space<vmem>>
    tpu.wait_dma2 semaphore(%dma_wait3A_236 : memref<!tpu.dma_semaphore, #tpu.memory_space<semaphore_mem>>) src(%dma_wait3A_244 : memref<1x128x128xf32, #tpu.memory_space<vmem>>) dst(%dma_wait3A_239 : memref<1x128x128xf32, #tpu.memory_space<hbm>>)
    %rem3A_245 = arith.constant 49 : i32
    %rem3A_246 = arith.constant 7 : i32
    %rem3A_247 = arith.remsi %rem3A_245, %rem3A_246 : i32
    %add3A_248 = arith.constant 49 : i32
    %add3A_249 = arith.addi %mul3A_2, %add3A_248 : i32
    %dma_wait3A_250 = arith.constant 0 : i32
    %dma_wait3A_251 = arith.constant 0 : i32
    %dma_wait3A_252 = arith.constant 0 : i32
    %dma_wait3A_253 = tpu.memref_slice %arg6[%rem3A_247, %dma_wait3A_250, %dma_wait3A_251, %dma_wait3A_252] : memref<7x1x128x128xf32, #tpu.memory_space<vmem>> -> memref<1x1x128x128xf32, #tpu.memory_space<vmem>>
    %dma_wait3A_254 = tpu.memref_squeeze %dma_wait3A_253 : memref<1x1x128x128xf32, #tpu.memory_space<vmem>> -> memref<1x128x128xf32, #tpu.memory_space<vmem>>
    %dma_wait3A_255 = arith.constant 0 : i32
    %dma_wait3A_256 = arith.constant 0 : i32
    %dma_wait3A_257 = tpu.memref_slice %arg4[%add3A_249, %dma_wait3A_255, %dma_wait3A_256] : memref<1600x128x128xf32, #tpu.memory_space<hbm>> -> memref<1x128x128xf32, #tpu.memory_space<hbm>>
    %dma_wait3A_258 = tpu.memref_slice %arg8[%rem3A_247] : memref<7x!tpu.dma_semaphore, #tpu.memory_space<semaphore_mem>> -> memref<1x!tpu.dma_semaphore, #tpu.memory_space<semaphore_mem>>
    %dma_wait3A_259 = tpu.memref_squeeze %dma_wait3A_258 : memref<1x!tpu.dma_semaphore, #tpu.memory_space<semaphore_mem>> -> memref<!tpu.dma_semaphore, #tpu.memory_space<semaphore_mem>>
    %dma_wait3A_260 = arith.constant 0 : i32
    %dma_wait3A_261 = arith.constant 0 : i32
    %dma_wait3A_262 = tpu.memref_slice %arg4[%add3A_249, %dma_wait3A_260, %dma_wait3A_261] : memref<1600x128x128xf32, #tpu.memory_space<hbm>> -> memref<1x128x128xf32, #tpu.memory_space<hbm>>
    %dma_wait3A_263 = arith.constant 0 : i32
    %dma_wait3A_264 = arith.constant 0 : i32
    %dma_wait3A_265 = arith.constant 0 : i32
    %dma_wait3A_266 = tpu.memref_slice %arg6[%rem3A_247, %dma_wait3A_263, %dma_wait3A_264, %dma_wait3A_265] : memref<7x1x128x128xf32, #tpu.memory_space<vmem>> -> memref<1x1x128x128xf32, #tpu.memory_space<vmem>>
    %dma_wait3A_267 = tpu.memref_squeeze %dma_wait3A_266 : memref<1x1x128x128xf32, #tpu.memory_space<vmem>> -> memref<1x128x128xf32, #tpu.memory_space<vmem>>
    tpu.wait_dma2 semaphore(%dma_wait3A_259 : memref<!tpu.dma_semaphore, #tpu.memory_space<semaphore_mem>>) src(%dma_wait3A_267 : memref<1x128x128xf32, #tpu.memory_space<vmem>>) dst(%dma_wait3A_262 : memref<1x128x128xf32, #tpu.memory_space<hbm>>)
    return
  }
}

</mosaic_0001>

<sc_bundles>
// kernel: _embedding_lookup.3.cloned.1.call-start
scs
__scs_entry_jumppad:
0x0: {  	(pc) =	sbr.rel $0x88, $3  }
0x1: {  	(tag) =	ssettag $0x0;
	lr =	simm.s32 $0x1  }
0x2: {  	[smem:$0x3F9F] =	sst lr;
	_ =	strace $0xD0000000  }
0x3: {  	_ = 	snop  }
0x4: {  	_ = 	snop  }
0x5: {  	_ = 	snop  }
0x6: {  	_ = 	snop  }
0x7: {  	_ = 	snop  }
__scs_overlays_trampoline_lowered:
0x8: {  	[smem:$0x3FAE] =	sst s0  }
0x9: {  	[smem:$0x3FAF] =	sst s1  }
0xa: {  	[smem:$0x3FB0] =	sst s2  }
0xb: {  	[smem:$0x3FB1] =	sst s3  }
0xc: {  	[smem:$0x3FB2] =	sst s4  }
0xd: {  	[smem:$0x3FB3] =	sst s5  }
0xe: {  	[smem:$0x3FB4] =	sst s6  }
0xf: {  	[smem:$0x3FB5] =	sst s7  }
0x10: {  	[smem:$0x3FB6] =	sst s8  }
0x11: {  	[smem:$0x3FB7] =	sst s9;
	s0 =	simm.s32 @!p0 $0x0  }
0x12: {  	s1 =	sld [smem:$0x3F9D];
	s0 =	simm.s32 @p0 $0x1  }
0x13: {  	[smem:$0x3FB8] =	sst s0;
	s0 =	simm.s32 @!p1 $0x0  }
0x14: {  	s2 =	sld [smem:$0x3F9C];
	s0 =	simm.s32 @p1 $0x1  }
0x15: {  	[smem:$0x3FB9] =	sst s0;
	s0 =	simm.s32 @!p2 $0x0  }
0x16: {  	s3 =	sld [smem:$0x3FDB];
	s0 =	simm.s32 @p2 $0x1  }
0x17: {  	s4 =	simm.s32 $0x1BF5;
	[smem:$0x3FBB] =	sst s0  }
0x18: {  	s0 =	sld [smem:$0x3F9E];
	_ =	swait.ge [sflag:s4], $0x0  }
0x19: {  	s7 =	sld [smem:$0x3F9F]  }
0x1a: {  	s8 =	sadd.s32 $0xFFFFE003, lr  }
0x1b: {  	s9 =	sadd.s32 $0xFFFFFEF7, lr;
	s5 =	simm.s32 $0xFFFFFFFF;
	p2 =	slt.u32 s8, $0xFFFFF086  }
0x1c: {  	p1 =	slt.u32 s9, $0xF7A;
	s5 =	simm.s32 @!p2 $0x0  }
0x1d: {  	s5 =	simm.s32 @p1 $0x1;
	p0 =	seq.s32 s7, s2  }
0x1e: {  	s7 =	smul.u32 @!p0 $0xF7A, s2;
	p2 =	seq.s32 @!p0 s5, $0x0  }
0x1f: {  	s9 =	smul.u32 $0xF7A, s1;
	s8 =	simm.s32 @!p0 $0x1BF5;
	p2 =	por !p2, p0  }
0x20: {  	[sflag:s8] =	ssyncset.s32 @!p0 $0xFFFFF086;
	s6 =	sadd.s32 @!p0 s3, s7;
	s7 =	simm.s32 @!p0 $0x108  }
0x21: {  	s3 =	sadd.s32 s3, s9;
	s6 =	sadd.s32 @!p0 $0x88, s6;
	s7 =	simm.s32 @p2 $0x1082  }
0x22: {  	[simem:s7], [sflag:s8] =	dma.local @!p0 [hbm:s6], $0xF7A  }
0x23: {  	s9 =	sor.u32 $0xD0000000, s2;
	s6 =	simm.s32 $0x108;
	_ =	swait.ge @!p0 [sflag:s8], $0x0  }
0x24: {  	s3 =	sadd.s32 $0x88, s3;
	s6 =	simm.s32 @!p1 $0x1082;
	[sflag:s4] =	ssyncset.s32 $0xFFFFF086  }
0x25: {  	[simem:s6], [sflag:s4] =	dma.local [hbm:s3], $0xF7A  }
0x26: {  	[smem:$0x3F9F] =	sst s1;
	(tag) =	ssettag s2;
	_ =	strace s9  }
0x27: {  	s1 =	sld [smem:$0x3FAF]  }
0x28: {  	s2 =	sld [smem:$0x3FB0]  }
0x29: {  	s4 =	sld [smem:$0x3FB2]  }
0x2a: {  	p0 =	seq.s32 s5, $0x0;
	s5 =	sld [smem:$0x3FB3]  }
0x2b: {  	s6 =	sld [smem:$0x3FB4]  }
0x2c: {  	s7 =	sld [smem:$0x3FB5]  }
0x2d: {  	s3 =	simm.s32 $0x108;
	s8 =	sld [smem:$0x3FB6]  }
0x2e: {  	s3 =	simm.s32 @!p0 $0x1082;
	s9 =	sld [smem:$0x3FB7]  }
0x2f: {  	lr =	sadd.s32 s0, s3;
	s0 =	sld [smem:$0x3FAE]  }
0x30: {  	s3 =	sld [smem:$0x3FB1]  }
0x31: {  	[smem:$0x3FBA] =	sst s10  }
0x32: {  	s10 =	sld [smem:$0x3FB8];
	_ =	sdelay $0x3  }
0x33: {  	p0 =	seq.s32 s10, $0x1;
	s10 =	sld [smem:$0x3FBA];
	_ =	sdelay $0x3  }
0x34: {  	[smem:$0x3FBA] =	sst s10  }
0x35: {  	s10 =	sld [smem:$0x3FB9];
	_ =	sdelay $0x3  }
0x36: {  	p1 =	seq.s32 s10, $0x1;
	s10 =	sld [smem:$0x3FBA];
	_ =	sdelay $0x3  }
0x37: {  	[smem:$0x3FBA] =	sst s10  }
0x38: {  	s10 =	sld [smem:$0x3FBB]  }
0x39: {  	_ = 	snop;
	(pc) =	sbr.ind lr, $3  }
0x3a: {  	_ = 	snop  }
0x3b: {  	_ = 	snop  }
0x3c: {  	p2 =	seq.s32 s10, $0x1;
	s10 =	sld [smem:$0x3FBA]  }
0x3d: {  	_ =	shalt  }
0x3e: {  	_ =	shalt  }
0x3f: {  	_ =	shalt  }
0x40: {  	_ =	shalt  }
0x41: {  	_ =	shalt  }
0x42: {  	_ =	shalt  }
0x43: {  	_ =	shalt  }
0x44: {  	_ =	shalt  }
0x45: {  	_ =	shalt  }
0x46: {  	_ =	shalt  }
0x47: {  	_ =	shalt  }
0x48: {  	_ =	shalt  }
0x49: {  	_ =	shalt  }
0x4a: {  	_ =	shalt  }
0x4b: {  	_ =	shalt  }
0x4c: {  	_ =	shalt  }
0x4d: {  	_ =	shalt  }
0x4e: {  	_ =	shalt  }
0x4f: {  	_ =	shalt  }
0x50: {  	_ =	shalt  }
0x51: {  	_ =	shalt  }
0x52: {  	_ =	shalt  }
0x53: {  	_ =	shalt  }
0x54: {  	_ =	shalt  }
0x55: {  	_ =	shalt  }
0x56: {  	_ =	shalt  }
0x57: {  	_ =	shalt  }
0x58: {  	_ =	shalt  }
0x59: {  	_ =	shalt  }
0x5a: {  	_ =	shalt  }
0x5b: {  	_ =	shalt  }
0x5c: {  	_ =	shalt  }
0x5d: {  	_ =	shalt  }
0x5e: {  	_ =	shalt  }
0x5f: {  	_ =	shalt  }
0x60: {  	_ =	shalt  }
0x61: {  	_ =	shalt  }
0x62: {  	_ =	shalt  }
0x63: {  	_ =	shalt  }
0x64: {  	_ =	shalt  }
0x65: {  	_ =	shalt  }
0x66: {  	_ =	shalt  }
0x67: {  	_ =	shalt  }
0x68: {  	_ =	shalt  }
0x69: {  	_ =	shalt  }
0x6a: {  	_ =	shalt  }
0x6b: {  	_ =	shalt  }
0x6c: {  	_ =	shalt  }
0x6d: {  	_ =	shalt  }
0x6e: {  	_ =	shalt  }
0x6f: {  	_ =	shalt  }
0x70: {  	_ =	shalt  }
0x71: {  	_ =	shalt  }
0x72: {  	_ =	shalt  }
0x73: {  	_ =	shalt  }
0x74: {  	_ =	shalt  }
0x75: {  	_ =	shalt  }
0x76: {  	_ =	shalt  }
0x77: {  	_ =	shalt  }
0x78: {  	_ =	shalt  }
0x79: {  	_ =	shalt  }
0x7a: {  	_ =	shalt  }
0x7b: {  	_ =	shalt  }
0x7c: {  	_ =	shalt  }
0x7d: {  	_ =	shalt  }
0x7e: {  	_ =	shalt  }
0x7f: {  	_ =	shalt  }
0x80: {  	_ =	shalt  }
0x81: {  	_ =	shalt  }
0x82: {  	_ =	shalt  }
0x83: {  	_ =	shalt  }
0x84: {  	_ =	shalt  }
0x85: {  	_ =	shalt  }
0x86: {  	_ =	shalt  }
0x87: {  	_ =	shalt  }
.Lfunc_end0:
.L_simem_size_0:
called_computation_lowered:
.L_overlay_start_0:
0x88: {  	s2 =	sld [smem:$0x3FD9]  }
0x89: {  	s3 =	sld [smem:$0x3FFE];
	_ =	sdelay $0x1  }
0x8a: {  	s1 =	srdreg.scid  }
0x8b: {  	s0 =	sand.u32 $0x1, s1  }
0x8c: {  	s17 =	sshll.u32 s0, $0xA;
	s2 =	sadd.s32 s3, s2  }
0x8d: {  	s2 =	sadd.s32 s2, s17  }
0x8e: {  	[smem:$0x3FC6] =	sst s2  }
0x8f: {  	_ = 	snop  }
0x90: {  	s2 =	sld [smem:$0x3FC9]  }
0x91: {  	s18 =	sld [smem:$0x3FD0];
	(tm) =	ssettm $0x1  }
0x92: {  	s4 =	sld [smem:$0x3FFB];
	_ =	sdelay $0x3  }
0x93: {  	_ =	strace s4  }
0x94: {  	s4 =	sld [smem:$0x3FFC];
	_ =	sdelay $0x3  }
0x95: {  	_ =	strace s4  }
0x96: {  	s4 =	sld [smem:$0x3FFD];
	_ =	sdelay $0x3  }
0x97: {  	_ =	strace s4  }
0x98: {  	_ =	strace $0x8FFFFFFF  }
0x99: {  	s19 =	sld [smem:$0x3FDB];
	_ =	sdelay $0x1  }
0x9a: {  	s5 =	simm.s32 $_scs_section_size  }
0x9b: {  	s6 =	simm.s32 $_size__tile_overlayer_lowered;
	s7 =	simm.s32 $_tile_overlayer_lowered  }
0x9c: {  	s22 =	simm.s32 $0x1BFF;
	s21 =	sshll.u32 s7, $0x1;
	s4 =	sadd.s32 s5, s19  }
0x9d: {  	s8 =	simm.s32 $0x0;
	s20 =	sshll.u32 s6, $0x1;
	s6 =	sadd.s32 s21, s4  }
0x9e: {  	[timem:s8], [sflag:s22] =	dma.local [hbm:s6], s20  }
0x9f: {  	_ =	swait.ge [sflag:s22], s20  }
0xa0: {  	s5 =	ssub.s32 $0x0, s20;
	[sflag:s22] =	ssyncset.done $0x0  }
0xa1: {  	[sflag:s22] =	ssyncadd.s32 s5;
	_ =	sdelay $0x1  }
0xa2: {  	s23 =	simm.s32 $0x1B8B  }
0xa3: {  	_ =	swait.ge [sflag:s23], $0x1  }
0xa4: {  	[sflag:s23] =	ssyncset.done $0x0  }
0xa5: {  	s25 =	simm.s32 $0x1B8E;
	s24 =	sld [smem:$0x3FFE];
	[sflag:s23] =	ssyncadd.s32 $0xFFFFFFFF  }
0xa6: {  	s26 =	simm.s32 $execute0_lowered;
	[smem:$0x3FD2] =	sst s25  }
0xa7: {  	s6 =	sshll.u32 s26, $0x1;
	_ =	strace $0x80000046;
	[dreg:$0x1] =	wrdreg $0xFFFFFFFF  }
0xa8: {  	s28 =	simm.s32 $_size_execute0_lowered;
	s4 =	sadd.s32 s4, s6;
	[dreg:$0x0] =	wrdreg $0x0  }
0xa9: {  	s6 =	sshll.u32 s28, $0x1;
	[dreg:$0x2] =	wrdreg s4  }
0xaa: {  	[dreg:$0x3] =	wrdreg s6  }
0xab: {  	[dreg:$0x4] =	wrdreg $0xC0  }
0xac: {  	_ =	task [dreg:s8], $0x5FFFF  }
0xad: {  	[dreg:$0x1] =	wrdreg $0xFFFFFFFF  }
0xae: {  	[dreg:$0x0] =	wrdreg $0x60  }
0xaf: {  	[dreg:$0x2] =	wrdreg s2  }
0xb0: {  	[dreg:$0x3] =	wrdreg s24  }
0xb1: {  	[dreg:$0x4] =	wrdreg s18  }
0xb2: {  	[dreg:$0x5] =	wrdreg $0x9  }
0xb3: {  	_ =	task.clear_ibuf [dreg:s8], $0x6FFFF;
	_ =	strace $0x90000046  }
0xb4: {  	s29 =	simm.s32 $0x9;
	_ =	strace $0x80000048  }
0xb5: {  	_ =	swait.ge [sflag:s29], $0x1  }
0xb6: {  	[sflag:s29] =	ssyncadd.s32 $0xFFFFFFFF  }
0xb7: {  	_ =	strace $0x90000048  }
0xb8: {  	_ =	sfence  }
0xb9: {  	s30 =	sld [smem:$0x0];
	_ =	sdelay $0x2  }
0xba: {  	s31 =	sshll.u32 s1, $0xD;
	s1 =	sshrl.u32 s1, $0x2  }
0xbb: {  	s3 =	sand.u32 $0x4000, s31;
	s1 =	sadd.s32 s1, s30  }
0xbc: {  	s0 =	sor.u32 s3, s0;
	s1 =	sshll.u32 s1, $0x11  }
0xbd: {  	s0 =	sor.u32 s1, s0  }
0xbe: {  	s0 =	sadd.s32 $0x8F2B, s0  }
0xbf: {  	[sflag:s0] =	ssyncadd.remote.s32 $0x1  }
0xc0: {  	_ =	sfence.sel $0xFFFF  }
0xc1: {  	[dreg:$0x0] =	wrdreg $0xFFFFFFFF;
	(pc) =	sbr.abs _section_cstart, $3  }
0xc2: {  	[dreg:$0x1] =	wrdreg $0xFFFFFFFF  }
0xc3: {  	_ =	task.clear_ibuf [dreg:s8], $0x2FFFF;
	_ =	strace $0x9FFFFFFF  }
0xc4: {  	(tm) =	ssettm $0x7FFFFFFF  }
0xc5: {  	_ =	shalt  }
tec
execute0_lowered:
.L_overlay_start_1:
0x0: {  	(tag) =	ssettag $0x1  }
0x1: {  	s0 =	rddreg [dreg:$0x1]  }
0x2: {  	s1 =	rddreg [dreg:$0x2]  }
0x3: {  	s2 =	srdreg.scid;
	s3 =	stileid.u32;
	s7 =	simm.s32 $0x0  }
0x4: {  	s2 =	sand.u32 $0x1, s2;
	s4 =	sshll.u32 s3, $0x1;
	s5 =	smul.u32 $0x64, s3  }
0x5: {  	s4 =	sor.u32 s2, s4;
	s6 =	smul.u32 $0x32, s2;
	s23 =	ssub.s32 $0x2, s2  }
0x6: {  	[smem:$0x7FF] =	sst s7;
	s4 =	smul.u32 $0x380, s4;
	s8 =	sshrl.u32 s23, $0x1  }
0x7: {  	_ =	strace $0x80000047;
	s5 =	sadd.s32 s6, s5;
	s24 =	ssub.s32 s23, s8  }
0x8: {  	s0 =	sadd.s32 s4, s0;
	s5 =	sshll.u32 s5, $0xB;
	s28 =	smax.u32 s24, $0x1  }
0x9: {  	s0 =	sadd.s32 $0x400, s0;
	s25 =	sadd.s32 s5, s1;
	[dreg:$0x8] =	wrdreg s28  }
0xa: {  	s26 =	smul.u32 $0x32000, s3;
	[dreg:$0x7] =	wrdreg s0;
	s29 =	sadd.s32 $0x2000, s25  }
0xb: {  	s2 =	smul.u32 $0x19000, s2;
	s30 =	sadd.s32 $0x1800, s25;
	[dreg:$0x9] =	wrdreg s29  }
0xc: {  	s31 =	sadd.s32 s26, s1;
	s0 =	sadd.s32 $0x800, s25;
	[dreg:$0xa] =	wrdreg s30  }
0xd: {  	[dreg:$0xb] =	wrdreg s0;
	s0 =	sadd.s32 s2, s31  }
0xe: {  	s2 =	simm.s32 $0x0;
	[dreg:$0xc] =	wrdreg s0  }
.LBB2_1:
0xf: {  	[dreg:$0xd] =	wrdreg s2;
	s24 =	simm.s32 $0x0  }
0x10: {  	s0 =	rddreg [dreg:$0x7];
	s8 =	simm.s32 $0xF;
	s1 =	simm.s32 $0x80  }
0x11: {  	s9 =	simm.s32 $0x1C00;
	s10 =	simm.s32 $0x5C00;
	s11 =	simm.s32 $0x100  }
0x12: {  	s12 =	simm.s32 $0x9C00;
	s13 =	simm.s32 $0x180;
	s14 =	simm.s32 $0xDC00  }
0x13: {  	s15 =	simm.s32 $0x200;
	s16 =	simm.s32 $0x11C00;
	s17 =	simm.s32 $0x0  }
0x14: {  	s18 =	simm.s32 $0x280;
	s4 =	simm.s32 $0x15C00;
	p2 =	por $0x0, $0x0  }
0x15: {  	s31 =	simm.s32 $0x500;
	p3 =	por $0x1, $0x1;
	p1 =	por $0x0, $0x0  }
0x16: {  	[tilespmem:s24], [sflag:$0xF] =	stream.linear.gather [hbm4b:s0+s24], $0x1900, $0x38;
	[tilespmem:$0x1DC00] =	vst v63  }
0x17: {  	p0 =	por $0x0, $0x0;
	p4 =	por $0x0, $0x0;
	_ =	swait.ge [sflag:s8], $0x1900  }
0x18: {  	s0 =	smul.u32 $0x25, s17;
	p5 =	por @!p2 $0x1, $0x1;
	[sflag:s8] =	ssyncset.done $0x0  }
0x19: {  	s30 =	simm.s32 @!p1 $0x80;
	s6 =	rddreg [dreg:$0xa];
	[sflag:s8] =	ssyncadd.s32 $0xFFFFE700  }
0x1a: {  	p5 =	por p5, p2;
	s6 =	sadd.s32 $0xFFFFF800, s6;
	s3 =	rddreg [dreg:$0x0]  }
0x1b: {  	s0 =	sshrl.u32 s0, $0x8;
	[dreg:$0x4] =	wrdreg s6;
	s6 =	simm.s32 @!p4 $0x7  }
0x1c: {  	[tilespmem:s9], [sflag:$0x1] =	stream.indirect.gather [hbm4b:s3+s1], $0x80, s24, s1, $0xb8;
	[tilespmem:$0x1DC00] =	vst v63  }
0x1d: {  	s21 =	rddreg [dreg:$0xb];
	s8 =	simm.s32 $0x1;
	s7 =	smul.u32 @!p4 $0x25, s6  }
0x1e: {  	[tilespmem:s10], [sflag:$0x2] =	stream.indirect.gather [hbm4b:s3+s1], $0x80, s1, s1, $0xb8;
	[tilespmem:$0x1DC00] =	vst v63  }
0x1f: {  	s25 =	rddreg [dreg:$0xc];
	s8 =	smul.u32 $0x25, s8;
	s7 =	sshrl.u32 @!p4 s7, $0x8  }
0x20: {  	[tilespmem:s12], [sflag:$0x3] =	stream.indirect.gather [hbm4b:s3+s1], $0x80, s11, s1, $0xb8;
	[tilespmem:$0x1DC00] =	vst v63  }
0x21: {  	s19 =	ssub.s32 $0x0, s0;
	s8 =	sshrl.u32 s8, $0x8;
	s10 =	ssub.s32 @!p4 $0x7, s7  }
0x22: {  	[tilespmem:s14], [sflag:$0x4] =	stream.indirect.gather [hbm4b:s3+s1], $0x80, s13, s1, $0xb8;
	[tilespmem:$0x1DC00] =	vst v63  }
0x23: {  	s22 =	ssub.s32 $0x1, s8;
	s11 =	simm.s32 $0xA;
	s10 =	sand.u32 @!p4 $0xFE, s10  }
0x24: {  	[tilespmem:s16], [sflag:$0x5] =	stream.indirect.gather [hbm4b:s3+s1], $0x80, s15, s1, $0xb8;
	[tilespmem:$0x1DC00] =	vst v63  }
0x25: {  	s12 =	sadd.s32 $0x2800, s25;
	s11 =	smul.u32 @!p0 $0x25, s11;
	s10 =	sshrl.u32 @!p4 s10, $0x1  }
0x26: {  	[tilespmem:s4], [sflag:$0x6] =	stream.indirect.gather [hbm4b:s3+s1], $0x80, s18, s1, $0xb8;
	[tilespmem:$0x1DC00] =	vst v63  }
0x27: {  	s14 =	simm.s32 $0x3;
	s7 =	sadd.s32 @!p4 s7, s10;
	s1 =	sand.u32 $0xFE, s19  }
0x28: {  	s10 =	sand.u32 $0xFE, s22;
	s7 =	sand.u32 @!p4 $0xFC, s7;
	s1 =	sshrl.u32 s1, $0x1  }
0x29: {  	s10 =	sshrl.u32 s10, $0x1;
	s7 =	sshrl.u32 @!p4 s7, $0x2;
	s0 =	sadd.s32 s0, s1  }
0x2a: {  	s7 =	smul.u32 @!p4 $0x7, s7;
	s1 =	simm.s32 $0x6;
	s0 =	sand.u32 $0xFC, s0  }
0x2b: {  	s8 =	sadd.s32 s8, s10;
	s1 =	smul.u32 @!p2 $0x25, s1;
	s0 =	sshrl.u32 s0, $0x2  }
0x2c: {  	s11 =	sshrl.u32 @!p0 s11, $0x8;
	s23 =	sand.u32 $0xFC, s8;
	s0 =	smul.u32 $0x7, s0  }
0x2d: {  	s8 =	simm.s32 @!p1 $0x8;
	s4 =	simm.s32 @!p2 $0x80;
	s18 =	ssub.s32 @!p0 $0xA, s11  }
0x2e: {  	s8 =	smul.u32 @!p1 $0x25, s8;
	s1 =	sshrl.u32 @!p2 s1, $0x8;
	s0 =	ssub.s32 $0x0, s0  }
0x2f: {  	s7 =	ssub.s32 @!p4 $0x7, s7;
	s5 =	sand.u32 $0xFF, s0;
	s0 =	ssub.s32 @!p2 $0x6, s1  }
0x30: {  	s19 =	simm.s32 @!p2 $0x300;
	s7 =	sand.u32 @!p4 $0xFF, s7;
	s0 =	sand.u32 @!p2 $0xFE, s0  }
0x31: {  	s8 =	sshrl.u32 @!p1 s8, $0x8;
	s10 =	sshll.u32 @!p4 s7, $0xE;
	s2 =	sshrl.u32 @!p2 s0, $0x1  }
0x32: {  	s9 =	sshll.u32 s5, $0xE;
	s0 =	simm.s32 $0x4;
	s1 =	sadd.s32 @!p2 s1, s2  }
0x33: {  	s20 =	smul.u32 $0x25, s0;
	s2 =	sadd.s32 $0x2800, s21;
	s21 =	simm.s32 $0x2  }
0x34: {  	s26 =	sor.u32 $0x8, s5;
	s1 =	sand.u32 @!p2 $0xFC, s1;
	s21 =	smul.u32 $0x25, s21  }
0x35: {  	s17 =	sshrl.u32 s20, $0x8;
	s1 =	sshrl.u32 @!p2 s1, $0x2;
	s20 =	ssub.s32 @!p1 $0x8, s8  }
0x36: {  	s5 =	sadd.s32 $0x1, s5;
	s1 =	smul.u32 @!p2 $0x7, s1;
	s20 =	sand.u32 @!p1 $0xFE, s20  }
0x37: {  	s9 =	sor.u32 $0x1C00, s9;
	s6 =	ssub.s32 $0x4, s17;
	s20 =	sshrl.u32 @!p1 s20, $0x1  }
0x38: {  	s1 =	ssub.s32 @!p2 $0x6, s1;
	s8 =	sadd.s32 @!p1 s8, s20;
	s20 =	sshrl.u32 s21, $0x8  }
0x39: {  	s21 =	simm.s32 @!p4 $0x80;
	s1 =	sand.u32 @!p2 $0xFF, s1;
	s8 =	sand.u32 @!p1 $0xFC, s8  }
0x3a: {  	s13 =	sadd.s32 @!p5 $0x8, s1;
	s16 =	sshll.u32 @!p2 s1, $0xE;
	s8 =	sshrl.u32 @!p1 s8, $0x2  }
0x3b: {  	s1 =	sadd.s32 @!p2 $0x1, s1;
	_ =	swait.ge @!p5 [sflag:s13], $0x4000;
	s8 =	smul.u32 @!p1 $0x7, s8  }
0x3c: {  	s16 =	sor.u32 @!p2 $0x1C00, s16;
	[sflag:s13] =	ssyncset.done @!p5 $0x0;
	s15 =	rddreg [dreg:$0x9]  }
0x3d: {  	[sflag:s13] =	ssyncadd.s32 @!p5 $0xFFFFC000;
	s13 =	sand.u32 @!p0 $0xFE, s18;
	s8 =	ssub.s32 @!p1 $0x8, s8  }
0x3e: {  	[tilespmem:s16], [sflag:s1] =	stream.indirect.gather @!p2 [hbm4b:s3+s4], $0x80, s19, s4, $0xb8;
	[tilespmem:$0x1DC00] =	vst v63  }
0x3f: {  	s1 =	sshrl.u32 @!p0 s13, $0x1;
	s4 =	sshrl.u32 s23, $0x2;
	s13 =	sadd.s32 $0x2800, s15  }
0x40: {  	p2 =	por $0x0, $0x0;
	s16 =	sor.u32 @!p4 $0x8, s7;
	s19 =	sor.u32 @!p4 $0x1C00, s10  }
0x41: {  	s7 =	sadd.s32 @!p4 $0x1, s7;
	s23 =	ssub.s32 $0x2, s20;
	s8 =	sand.u32 @!p1 $0xFF, s8  }
0x42: {  	s4 =	smul.u32 $0x7, s4;
	s18 =	simm.s32 @!p2 $0x9;
	s1 =	sadd.s32 @!p0 s11, s1  }
0x43: {  	_ =	swait.ge [sflag:s5], $0x4000;
	s23 =	sand.u32 $0xFE, s23;
	s10 =	smul.u32 @!p2 $0x25, s18  }
0x44: {  	s18 =	simm.s32 @!p4 $0x380;
	[sflag:s5] =	ssyncset.done $0x0;
	s1 =	sand.u32 @!p0 $0xFC, s1  }
0x45: {  	s4 =	ssub.s32 $0x1, s4;
	[sflag:s5] =	ssyncadd.s32 $0xFFFFC000;
	s1 =	sshrl.u32 @!p0 s1, $0x2  }
0x46: {  	[hbm4b:s25+s24] =	stream.linear.scatter [tilespmem:s9], [sflag:s26], $0x4000, $0x38;
	[tilespmem:$0x1DC00] =	vst v63  }
0x47: {  	s4 =	sand.u32 $0xFF, s4;
	s26 =	sshrl.u32 s23, $0x1;
	s11 =	sshrl.u32 @!p2 s10, $0x8  }
0x48: {  	s10 =	simm.s32 @!p1 $0x400;
	s24 =	sadd.s32 @!p1 $0x1, s8;
	s22 =	sshll.u32 s4, $0xE  }
0x49: {  	s9 =	sadd.s32 s20, s26;
	_ =	swait.ge @!p4 [sflag:s16], $0x4000;
	s20 =	ssub.s32 @!p2 $0x9, s11  }
0x4a: {  	s23 =	sor.u32 $0x8, s4;
	s5 =	sor.u32 $0x1C00, s22;
	s9 =	sand.u32 $0xFC, s9  }
0x4b: {  	s20 =	sand.u32 @!p2 $0xFE, s20;
	s22 =	sshll.u32 @!p1 s8, $0xE;
	[sflag:s16] =	ssyncset.done @!p4 $0x0  }
0x4c: {  	s9 =	sshrl.u32 s9, $0x2;
	s20 =	sshrl.u32 @!p2 s20, $0x1;
	s25 =	sor.u32 @!p1 $0x1C00, s22  }
0x4d: {  	[sflag:s16] =	ssyncadd.s32 @!p4 $0xFFFFC000;
	s16 =	sadd.s32 $0x1, s4;
	s22 =	sand.u32 $0xFE, s6  }
0x4e: {  	[tilespmem:s19], [sflag:s7] =	stream.indirect.gather @!p4 [hbm4b:s3+s21], $0x80, s18, s21, $0xb8;
	[tilespmem:$0x1DC00] =	vst v63  }
0x4f: {  	s11 =	sadd.s32 @!p2 s11, s20;
	s9 =	smul.u32 $0x7, s9;
	s19 =	sor.u32 @!p1 $0x8, s8  }
0x50: {  	s7 =	smul.u32 $0x25, s14;
	s20 =	simm.s32 $0xF;
	s21 =	simm.s32 $0xA  }
0x51: {  	s18 =	simm.s32 $0x500;
	s11 =	sand.u32 @!p2 $0xFC, s11;
	_ =	swait.ge [sflag:s16], $0x4000  }
0x52: {  	[dreg:$0x5] =	wrdreg s18;
	s9 =	ssub.s32 $0x2, s9;
	s11 =	sshrl.u32 @!p2 s11, $0x2  }
0x53: {  	s18 =	smov.u32 s15;
	s28 =	sand.u32 $0xFF, s9;
	s9 =	smul.u32 @!p2 $0x7, s11  }
.Ltmp0:
0x54: {  	[sflag:s16] =	ssyncset.done $0x0;
	s4 =	sshrl.u32 s7, $0x8;
	(pc) =	sbr.rel @!p3 .LBB2_3-.Ltmp0, $4  }
0x55: {  	s7 =	rddreg [dreg:$0xa];
	[sflag:s16] =	ssyncadd.s32 $0xFFFFC000;
	s6 =	sshll.u32 s28, $0xE  }
0x56: {  	s8 =	ssub.s32 $0x3, s4;
	s26 =	sor.u32 $0x1C00, s6;
	s6 =	ssub.s32 @!p2 $0x9, s9  }
0x57: {  	s11 =	sadd.s32 $0x1, s28;
	s9 =	smul.u32 @!p0 $0x7, s1;
	s29 =	sand.u32 @!p2 $0xFF, s6  }
0x58: {  	s1 =	sand.u32 $0xFE, s8;
	s8 =	rddreg [dreg:$0xb];
	s16 =	sshll.u32 @!p2 s29, $0xE  }
.LBB2_2:
0x59: {  	s3 =	simm.s32 $0x0;
	s15 =	simm.s32 $0x0;
	s22 =	sshrl.u32 s22, $0x1  }
0x5a: {  	[hbm4b:s8+s3] =	stream.linear.scatter [tilespmem:s5], [sflag:s23], $0x4000, $0x38;
	[tilespmem:$0x1DC00] =	vst v63  }
0x5b: {  	s1 =	sshrl.u32 s1, $0x1;
	s8 =	sor.u32 @!p2 $0x1C00, s16;
	s16 =	sadd.s32 @!p2 $0x1, s29  }
0x5c: {  	s9 =	ssub.s32 @!p0 s21, s9;
	s5 =	sadd.s32 $0xFFFFFFF6, s20;
	s17 =	sadd.s32 s17, s22  }
0x5d: {  	s3 =	sor.u32 $0x8, s28;
	s1 =	sadd.s32 s4, s1;
	_ =	swait.ge @!p1 [sflag:s19], $0x4000  }
0x5e: {  	s23 =	smul.u32 $0x25, s5;
	s1 =	sand.u32 $0xFC, s1;
	[sflag:s19] =	ssyncset.done @!p1 $0x0  }
0x5f: {  	p3 =	slt.u32 s5, $0x2D;
	s1 =	sshrl.u32 s1, $0x2;
	[sflag:s19] =	ssyncadd.s32 @!p1 $0xFFFFC000  }
0x60: {  	s9 =	sand.u32 @!p0 $0xFF, s9;
	s1 =	smul.u32 $0x7, s1;
	s6 =	rddreg [dreg:$0x0]  }
0x61: {  	[tilespmem:s25], [sflag:s24] =	stream.indirect.gather @!p1 [hbm4b:s6+s30], $0x80, s10, s30, $0xb8;
	[tilespmem:$0x1DC00] =	vst v63  }
0x62: {  	p4 =	sgt.u32 s5, $0x2A;
	s19 =	sor.u32 @!p2 $0x8, s29;
	s25 =	sshrl.u32 s23, $0x8  }
0x63: {  	s23 =	sand.u32 $0xFC, s17;
	s10 =	sadd.s32 @!p2 $0xFFFFFF80, s31;
	s1 =	ssub.s32 s14, s1  }
0x64: {  	s14 =	simm.s32 @!p2 $0x80;
	s31 =	sadd.s32 $0x280, s31;
	p1 =	sgt.u32 s5, $0x29  }
0x65: {  	_ =	swait.ge [sflag:s11], $0x4000;
	s22 =	ssub.s32 s5, s25;
	s24 =	sshrl.u32 s23, $0x2  }
0x66: {  	s1 =	sand.u32 $0xFF, s1;
	s23 =	smov.u32 s13;
	[sflag:s11] =	ssyncset.done $0x0  }
0x67: {  	s13 =	sadd.s32 $0x2800, s13;
	s22 =	sand.u32 $0xFE, s22;
	[sflag:s11] =	ssyncadd.s32 $0xFFFFC000  }
0x68: {  	s4 =	sshrl.u32 s22, $0x1;
	s11 =	smul.u32 $0x7, s24;
	s22 =	smov.u32 s31  }
0x69: {  	s24 =	smov.u32 s12;
	s4 =	sadd.s32 s25, s4;
	s25 =	rddreg [dreg:$0x4]  }
0x6a: {  	[hbm4b:s25+s15] =	stream.linear.scatter [tilespmem:s26], [sflag:s3], $0x4000, $0x38;
	[tilespmem:$0x1DC00] =	vst v63  }
0x6b: {  	s12 =	sadd.s32 $0x2800, s12;
	s4 =	sand.u32 $0xFC, s4;
	s26 =	sadd.s32 $0x1, s1  }
0x6c: {  	s3 =	sshll.u32 s1, $0xE;
	s1 =	sor.u32 $0x8, s1;
	s0 =	ssub.s32 s0, s11  }
0x6d: {  	s4 =	sshrl.u32 s4, $0x2;
	_ =	swait.ge @!p2 [sflag:s19], $0x4000;
	s0 =	sand.u32 $0xFF, s0  }
0x6e: {  	s4 =	smul.u32 $0x7, s4;
	[sflag:s19] =	ssyncset.done @!p2 $0x0;
	s17 =	sshll.u32 s0, $0xE  }
0x6f: {  	[sflag:s19] =	ssyncadd.s32 @!p2 $0xFFFFC000;
	s19 =	sor.u32 @!p0 $0x8, s9;
	s21 =	sor.u32 $0x1C00, s17  }
0x70: {  	[tilespmem:s8], [sflag:s16] =	stream.indirect.gather @!p2 [hbm4b:s6+s14], $0x80, s10, s14, $0xb8;
	[tilespmem:$0x1DC00] =	vst v63  }
0x71: {  	s4 =	ssub.s32 s5, s4;
	s14 =	sor.u32 $0x1C00, s3;
	s16 =	simm.s32 $0x0  }
0x72: {  	p2 =	sgt.u32 s5, $0x2B;
	s8 =	smov.u32 s2;
	_ =	swait.ge [sflag:s26], $0x4000  }
0x73: {  	s2 =	sadd.s32 $0x2800, s2;
	s10 =	sand.u32 $0xFF, s4;
	[sflag:s26] =	ssyncset.done $0x0  }
0x74: {  	s4 =	sshll.u32 @!p0 s9, $0xE;
	s9 =	sadd.s32 @!p0 $0x1, s9;
	[sflag:s26] =	ssyncadd.s32 $0xFFFFC000  }
0x75: {  	[hbm4b:s7+s16] =	stream.linear.scatter [tilespmem:s14], [sflag:s1], $0x4000, $0x38;
	[tilespmem:$0x1DC00] =	vst v63  }
0x76: {  	p5 =	seq.s32 @!p2 s20, $0xA;
	s4 =	sor.u32 @!p0 $0x1C00, s4;
	_ =	swait.ge @!p0 [sflag:s19], $0x4000  }
0x77: {  	p5 =	por p5, p2;
	s7 =	sadd.s32 $0x2800, s7;
	[sflag:s19] =	ssyncset.done @!p0 $0x0  }
0x78: {  	s1 =	simm.s32 @!p0 $0x80;
	s3 =	rddreg [dreg:$0x5];
	[sflag:s19] =	ssyncadd.s32 @!p0 $0xFFFFC000  }
0x79: {  	[tilespmem:s4], [sflag:s9] =	stream.indirect.gather @!p0 [hbm4b:s6+s1], $0x80, s3, s1, $0xb8;
	[tilespmem:$0x1DC00] =	vst v63  }
0x7a: {  	s14 =	sadd.s32 $0xFFFFFFF9, s20;
	s19 =	sadd.s32 $0x1, s0;
	s4 =	sadd.s32 $0xFFFFFFFC, s20  }
0x7b: {  	s25 =	sadd.s32 $0xFFFFF800, s7;
	_ =	swait.ge [sflag:s19], $0x4000;
	s9 =	smul.u32 @!p2 $0x25, s4  }
0x7c: {  	s0 =	sor.u32 $0x8, s0;
	p0 =	sgt.u32 s5, $0x27;
	[sflag:s19] =	ssyncset.done $0x0  }
0x7d: {  	[dreg:$0x5] =	wrdreg s22;
	[sflag:s19] =	ssyncadd.s32 $0xFFFFC000;
	s1 =	sshrl.u32 @!p2 s9, $0x8  }
0x7e: {  	[hbm4b:s18+s16] =	stream.linear.scatter [tilespmem:s21], [sflag:s0], $0x4000, $0x38;
	[tilespmem:$0x1DC00] =	vst v63  }
0x7f: {  	[dreg:$0x4] =	wrdreg s25;
	s25 =	sshll.u32 s10, $0xE;
	s0 =	ssub.s32 @!p2 s4, s1  }
0x80: {  	[dreg:$0x6] =	wrdreg s23;
	s25 =	sor.u32 $0x1C00, s25;
	s0 =	sand.u32 @!p2 $0xFE, s0  }
0x81: {  	s9 =	simm.s32 @!p2 $0x80;
	s11 =	sshrl.u32 @!p2 s0, $0x1;
	s0 =	sadd.s32 $0xFFFFFFFA, s20  }
0x82: {  	s16 =	sadd.s32 @!p4 $0xFFFFFFFD, s20;
	s1 =	sadd.s32 @!p2 s1, s11;
	s26 =	smul.u32 $0x25, s0  }
0x83: {  	s21 =	smov.u32 s20;
	s19 =	smul.u32 @!p4 $0x25, s16;
	s1 =	sand.u32 @!p2 $0xFC, s1  }
0x84: {  	s1 =	sshrl.u32 @!p2 s1, $0x2;
	s17 =	sshrl.u32 s26, $0x8;
	s26 =	smul.u32 @!p0 $0x25, s20  }
0x85: {  	s11 =	sadd.s32 $0xFFFFFFF7, s20;
	s19 =	sshrl.u32 @!p4 s19, $0x8;
	s1 =	smul.u32 @!p2 $0x7, s1  }
0x86: {  	s23 =	ssub.s32 @!p4 s16, s19;
	s3 =	smul.u32 $0x25, s11;
	s22 =	ssub.s32 s0, s17  }
0x87: {  	s30 =	sshrl.u32 @!p0 s26, $0x8;
	s22 =	sand.u32 $0xFE, s22;
	s1 =	ssub.s32 @!p2 s4, s1  }
0x88: {  	s4 =	sand.u32 @!p4 $0xFE, s23;
	s29 =	ssub.s32 @!p0 s20, s30;
	s23 =	sshrl.u32 s3, $0x8  }
0x89: {  	s3 =	sadd.s32 @!p2 $0xFFFFFE00, s31;
	s1 =	sand.u32 @!p2 $0xFF, s1;
	s4 =	sshrl.u32 @!p4 s4, $0x1  }
0x8a: {  	s15 =	ssub.s32 s11, s23;
	s26 =	sadd.s32 @!p5 $0x8, s1;
	s28 =	sshll.u32 @!p2 s1, $0xE  }
0x8b: {  	s4 =	sadd.s32 @!p4 s19, s4;
	s1 =	sadd.s32 @!p2 $0x1, s1;
	s19 =	sand.u32 $0xFE, s15  }
0x8c: {  	_ =	swait.ge @!p5 [sflag:s26], $0x4000;
	s28 =	sor.u32 @!p2 $0x1C00, s28;
	s4 =	sand.u32 @!p4 $0xFC, s4  }
0x8d: {  	s19 =	sshrl.u32 s19, $0x1;
	[sflag:s26] =	ssyncset.done @!p5 $0x0;
	s4 =	sshrl.u32 @!p4 s4, $0x2  }
0x8e: {  	s18 =	sadd.s32 s23, s19;
	[sflag:s26] =	ssyncadd.s32 @!p5 $0xFFFFC000;
	s26 =	sand.u32 @!p0 $0xFE, s29  }
0x8f: {  	s29 =	smul.u32 @!p4 $0x7, s4;
	s23 =	sand.u32 $0xFC, s18;
	s4 =	sadd.s32 @!p1 $0xFFFFFFFE, s20  }
0x90: {  	[tilespmem:s28], [sflag:s1] =	stream.indirect.gather @!p2 [hbm4b:s6+s9], $0x80, s3, s9, $0xb8;
	[tilespmem:$0x1DC00] =	vst v63  }
0x91: {  	s18 =	simm.s32 @!p4 $0x80;
	s19 =	sshrl.u32 @!p0 s26, $0x1;
	s1 =	sshrl.u32 s23, $0x2  }
0x92: {  	p2 =	sgt.u32 s5, $0x28;
	s3 =	ssub.s32 @!p4 s16, s29;
	s16 =	smul.u32 @!p1 $0x25, s4  }
0x93: {  	s1 =	smul.u32 $0x7, s1;
	s29 =	sadd.s32 @!p2 $0xFFFFFFFF, s20;
	s23 =	sadd.s32 @!p0 s30, s19  }
0x94: {  	s30 =	sor.u32 $0x8, s10;
	s10 =	sadd.s32 $0x1, s10;
	s3 =	sand.u32 @!p4 $0xFF, s3  }
0x95: {  	_ =	swait.ge [sflag:s10], $0x4000;
	s28 =	sor.u32 @!p4 $0x8, s3;
	s5 =	sshll.u32 @!p4 s3, $0xE  }
0x96: {  	s1 =	ssub.s32 s11, s1;
	s11 =	smul.u32 @!p2 $0x25, s29;
	s9 =	sadd.s32 @!p4 $0x1, s3  }
0x97: {  	s3 =	sshrl.u32 @!p1 s16, $0x8;
	s16 =	sadd.s32 @!p4 $0xFFFFFE80, s31;
	[sflag:s10] =	ssyncset.done $0x0  }
0x98: {  	s26 =	sor.u32 @!p4 $0x1C00, s5;
	s19 =	sand.u32 $0xFF, s1;
	s1 =	sadd.s32 $0xFFFFFFF8, s20  }
0x99: {  	s5 =	ssub.s32 @!p1 s4, s3;
	[sflag:s10] =	ssyncadd.s32 $0xFFFFC000;
	s6 =	smul.u32 $0x25, s1  }
0x9a: {  	s20 =	sadd.s32 $0x5, s20;
	s5 =	sand.u32 @!p1 $0xFE, s5;
	s15 =	sshll.u32 s19, $0xE  }
0x9b: {  	s11 =	sshrl.u32 @!p2 s11, $0x8;
	s5 =	sshrl.u32 @!p1 s5, $0x1;
	s6 =	sshrl.u32 s6, $0x8  }
0x9c: {  	s3 =	sadd.s32 @!p1 s3, s5;
	s5 =	sor.u32 $0x1C00, s15;
	s15 =	ssub.s32 s1, s6  }
0x9d: {  	s3 =	sand.u32 @!p1 $0xFC, s3;
	s10 =	sand.u32 $0xFE, s15;
	s15 =	simm.s32 $0x0  }
0x9e: {  	[hbm4b:s24+s15] =	stream.linear.scatter [tilespmem:s25], [sflag:s30], $0x4000, $0x38;
	[tilespmem:$0x1DC00] =	vst v63  }
0x9f: {  	s3 =	sshrl.u32 @!p1 s3, $0x2;
	s10 =	sshrl.u32 s10, $0x1;
	s15 =	sand.u32 @!p0 $0xFC, s23  }
0xa0: {  	s3 =	smul.u32 @!p1 $0x7, s3;
	s23 =	ssub.s32 @!p2 s29, s11;
	s30 =	simm.s32 @!p1 $0x80  }
0xa1: {  	s6 =	sadd.s32 s6, s10;
	_ =	swait.ge @!p4 [sflag:s28], $0x4000;
	s10 =	sadd.s32 @!p1 $0xFFFFFF00, s31  }
0xa2: {  	s3 =	ssub.s32 @!p1 s4, s3;
	s25 =	sand.u32 $0xFC, s6;
	s6 =	sand.u32 @!p2 $0xFE, s23  }
0xa3: {  	[sflag:s28] =	ssyncset.done @!p4 $0x0;
	s3 =	sand.u32 @!p1 $0xFF, s3;
	s4 =	sshrl.u32 s25, $0x2  }
0xa4: {  	s6 =	sshrl.u32 @!p2 s6, $0x1;
	[sflag:s28] =	ssyncadd.s32 @!p4 $0xFFFFC000;
	s4 =	smul.u32 $0x7, s4  }
0xa5: {  	s23 =	sshll.u32 @!p1 s3, $0xE;
	s24 =	sadd.s32 @!p1 $0x1, s3;
	s6 =	sadd.s32 @!p2 s11, s6  }
0xa6: {  	s11 =	sshrl.u32 @!p0 s15, $0x2;
	s6 =	sand.u32 @!p2 $0xFC, s6;
	s1 =	ssub.s32 s1, s4  }
0xa7: {  	s15 =	sadd.s32 $0x1, s19;
	s4 =	sshrl.u32 @!p2 s6, $0x2;
	s28 =	sand.u32 $0xFF, s1  }
0xa8: {  	s1 =	smul.u32 @!p2 $0x7, s4;
	s4 =	rddreg [dreg:$0x0];
	s6 =	sshll.u32 s28, $0xE  }
0xa9: {  	[tilespmem:s26], [sflag:s9] =	stream.indirect.gather @!p4 [hbm4b:s4+s18], $0x80, s16, s18, $0xb8;
	[tilespmem:$0x1DC00] =	vst v63  }
0xaa: {  	s25 =	sor.u32 @!p1 $0x1C00, s23;
	s26 =	sor.u32 $0x1C00, s6;
	s6 =	smul.u32 $0x25, s14  }
.Ltmp1:
0xab: {  	s23 =	sor.u32 $0x8, s19;
	s19 =	sor.u32 @!p1 $0x8, s3;
	(pc) =	sbr.rel @p3 .LBB2_2-.Ltmp1, $4  }
0xac: {  	s18 =	rddreg [dreg:$0x6];
	s9 =	smul.u32 @!p0 $0x7, s11;
	_ =	swait.ge [sflag:s15], $0x4000  }
0xad: {  	s1 =	ssub.s32 @!p2 s29, s1;
	[sflag:s15] =	ssyncset.done $0x0;
	s4 =	sshrl.u32 s6, $0x8  }
0xae: {  	s29 =	sand.u32 @!p2 $0xFF, s1;
	[sflag:s15] =	ssyncadd.s32 $0xFFFFC000;
	s15 =	ssub.s32 s14, s4  }
0xaf: {  	s11 =	sadd.s32 $0x1, s28;
	s16 =	sshll.u32 @!p2 s29, $0xE;
	s1 =	sand.u32 $0xFE, s15  }
.LBB2_3:
0xb0: {  	s12 =	simm.s32 $0x0  }
0xb1: {  	[hbm4b:s8+s12] =	stream.linear.scatter [tilespmem:s5], [sflag:s23], $0x4000, $0x38;
	[tilespmem:$0x1DC00] =	vst v63  }
0xb2: {  	_ =	swait.ge @!p1 [sflag:s19], $0x4000  }
0xb3: {  	[sflag:s19] =	ssyncset.done @!p1 $0x0  }
0xb4: {  	s1 =	sshrl.u32 s1, $0x1;
	[sflag:s19] =	ssyncadd.s32 @!p1 $0xFFFFC000  }
0xb5: {  	s1 =	sadd.s32 s4, s1;
	s6 =	rddreg [dreg:$0x0]  }
0xb6: {  	[tilespmem:s25], [sflag:s24] =	stream.indirect.gather @!p1 [hbm4b:s6+s30], $0x80, s10, s30, $0xb8;
	[tilespmem:$0x1DC00] =	vst v63  }
0xb7: {  	s1 =	sand.u32 $0xFC, s1;
	_ =	swait.ge [sflag:s11], $0x4000  }
0xb8: {  	s2 =	sor.u32 $0x8, s28;
	s1 =	sshrl.u32 s1, $0x2;
	[sflag:s11] =	ssyncset.done $0x0  }
0xb9: {  	s1 =	smul.u32 $0x7, s1;
	s3 =	rddreg [dreg:$0x4];
	[sflag:s11] =	ssyncadd.s32 $0xFFFFC000  }
0xba: {  	[hbm4b:s3+s12] =	stream.linear.scatter [tilespmem:s26], [sflag:s2], $0x4000, $0x38;
	[tilespmem:$0x1DC00] =	vst v63  }
0xbb: {  	s4 =	sadd.s32 @!p2 $0x1, s29;
	s1 =	ssub.s32 s14, s1;
	s2 =	sor.u32 @!p2 $0x8, s29  }
0xbc: {  	s5 =	sadd.s32 @!p2 $0xFFFFFF80, s31;
	s1 =	sand.u32 $0xFF, s1;
	_ =	swait.ge @!p2 [sflag:s2], $0x4000  }
0xbd: {  	s13 =	sadd.s32 $0x1, s1;
	s3 =	sor.u32 @!p2 $0x1C00, s16;
	[sflag:s2] =	ssyncset.done @!p2 $0x0  }
0xbe: {  	s16 =	sshrl.u32 s22, $0x1;
	[sflag:s2] =	ssyncadd.s32 @!p2 $0xFFFFC000;
	s2 =	simm.s32 @!p2 $0x80  }
0xbf: {  	[tilespmem:s3], [sflag:s4] =	stream.indirect.gather @!p2 [hbm4b:s6+s2], $0x80, s5, s2, $0xb8;
	[tilespmem:$0x1DC00] =	vst v63  }
0xc0: {  	s14 =	sshll.u32 s1, $0xE;
	s2 =	sadd.s32 s17, s16;
	_ =	swait.ge [sflag:s13], $0x4000  }
0xc1: {  	s1 =	sor.u32 $0x8, s1;
	s2 =	sand.u32 $0xFC, s2;
	[sflag:s13] =	ssyncset.done $0x0  }
0xc2: {  	s15 =	sor.u32 $0x1C00, s14;
	s2 =	sshrl.u32 s2, $0x2;
	[sflag:s13] =	ssyncadd.s32 $0xFFFFC000  }
0xc3: {  	[hbm4b:s7+s12] =	stream.linear.scatter [tilespmem:s15], [sflag:s1], $0x4000, $0x38;
	[tilespmem:$0x1DC00] =	vst v63  }
0xc4: {  	s2 =	smul.u32 $0x7, s2;
	s1 =	ssub.s32 @!p0 s21, s9  }
0xc5: {  	s1 =	sand.u32 @!p0 $0xFF, s1  }
0xc6: {  	s0 =	ssub.s32 s0, s2;
	s3 =	sor.u32 @!p0 $0x8, s1;
	s4 =	sshll.u32 @!p0 s1, $0xE  }
0xc7: {  	s1 =	sadd.s32 @!p0 $0x1, s1;
	s0 =	sand.u32 $0xFF, s0;
	_ =	swait.ge @!p0 [sflag:s3], $0x4000  }
0xc8: {  	s4 =	sor.u32 @!p0 $0x1C00, s4;
	s19 =	sadd.s32 $0x1, s0;
	[sflag:s3] =	ssyncset.done @!p0 $0x0  }
0xc9: {  	s5 =	rddreg [dreg:$0x5];
	[sflag:s3] =	ssyncadd.s32 @!p0 $0xFFFFC000;
	s3 =	simm.s32 @!p0 $0x80  }
0xca: {  	[tilespmem:s4], [sflag:s1] =	stream.indirect.gather @!p0 [hbm4b:s6+s3], $0x80, s5, s3, $0xb8;
	[tilespmem:$0x1DC00] =	vst v63  }
0xcb: {  	_ =	swait.ge [sflag:s19], $0x4000  }
0xcc: {  	s22 =	simm.s32 $0x9;
	s20 =	sshll.u32 s0, $0xE;
	[sflag:s19] =	ssyncset.done $0x0  }
0xcd: {  	s0 =	sor.u32 $0x8, s0;
	s21 =	sor.u32 $0x1C00, s20;
	[sflag:s19] =	ssyncadd.s32 $0xFFFFC000  }
0xce: {  	[hbm4b:s18+s12] =	stream.linear.scatter [tilespmem:s21], [sflag:s0], $0x4000, $0x38;
	[tilespmem:$0x1DC00] =	vst v63  }
0xcf: {  	_ =	swait.ge [sflag:s22], $0x4000  }
0xd0: {  	[sflag:s22] =	ssyncset.done $0x0  }
0xd1: {  	s23 =	simm.s32 $0xA;
	[sflag:s22] =	ssyncadd.s32 $0xFFFFC000  }
0xd2: {  	_ =	swait.ge [sflag:s23], $0x4000  }
0xd3: {  	[sflag:s23] =	ssyncset.done $0x0  }
0xd4: {  	s24 =	simm.s32 $0xB;
	[sflag:s23] =	ssyncadd.s32 $0xFFFFC000  }
0xd5: {  	_ =	swait.ge [sflag:s24], $0x4000  }
0xd6: {  	[sflag:s24] =	ssyncset.done $0x0  }
0xd7: {  	s25 =	simm.s32 $0xC;
	[sflag:s24] =	ssyncadd.s32 $0xFFFFC000  }
0xd8: {  	_ =	swait.ge [sflag:s25], $0x4000  }
0xd9: {  	[sflag:s25] =	ssyncset.done $0x0  }
0xda: {  	s26 =	simm.s32 $0xD;
	[sflag:s25] =	ssyncadd.s32 $0xFFFFC000  }
0xdb: {  	_ =	swait.ge [sflag:s26], $0x4000  }
0xdc: {  	[sflag:s26] =	ssyncset.done $0x0  }
0xdd: {  	s28 =	simm.s32 $0xE;
	[sflag:s26] =	ssyncadd.s32 $0xFFFFC000  }
0xde: {  	_ =	swait.ge [sflag:s28], $0x4000  }
0xdf: {  	[sflag:s28] =	ssyncset.done $0x0  }
0xe0: {  	s29 =	simm.s32 $0x8;
	[sflag:s28] =	ssyncadd.s32 $0xFFFFC000  }
0xe1: {  	_ =	swait.ge [sflag:s29], $0x4000  }
0xe2: {  	s30 =	rddreg [dreg:$0xd]  }
0xe3: {  	s31 =	rddreg [dreg:$0x8];
	s2 =	sadd.s32 $0x1, s30  }
0xe4: {  	p0 =	sne.s32 s2, s31  }
.Ltmp2:
0xe5: {  	_ = 	snop;
	(pc) =	sbr.rel @p0 .LBB2_1-.Ltmp2, $3  }
0xe6: {  	_ =	sdelay $0x1  }
0xe7: {  	[sflag:s29] =	ssyncset.done $0x0  }
0xe8: {  	[sflag:s29] =	ssyncadd.s32 $0xFFFFC000  }
0xe9: {  	_ =	sfence.sel $0x180000  }
0xea: {  	[bflag:$0x0] =	sbarrier.arrive $0xFFFF  }
0xeb: {  	_ =	strace $0x90000047  }
0xec: {  	s0 =	stileid.u32;
	[bflag:$0x2] =	sbarrier.arrive $0xFFFF  }
0xed: {  	p0 =	sne.s32 s0, $0x0;
	s0 =	rddreg [dreg:$0x3]  }
0xee: {  	s0 =	sadd.s32 @!p0 $0x100000, s0  }
0xef: {  	[sflag:s0] =	ssyncadd.tile.s32 @!p0 $0x1;
	_ =	shalt  }
.Lfunc_end2:
_tile_overlayer_lowered:
.L_overlay_start_2:
0xf0: {  	(tag) =	ssettag $0x2  }
0xf1: {  	s0 =	rddreg [dreg:$0x0];
	s2 =	stileid.u32  }
0xf2: {  	s1 =	rddreg [dreg:$0x1];
	p0 =	sne.s32 s2, $0x0  }
0xf3: {  	s3 =	rddreg [dreg:$0x2];
	[bflag:$0x3] =	sbarrier.arrive $0xFFFF;
	s2 =	simm.s32 @!p0 $0x1C0F  }
0xf4: {  	[timem:s3], [sflag:s2] =	dma.local @!p0 [hbm:s0], s1  }
0xf5: {  	s0 =	simm.s32 @!p0 $0xF  }
0xf6: {  	_ =	swait.ge @!p0 [sflag:s0], s1  }
0xf7: {  	s1 =	ssub.s32 @!p0 $0x0, s1;
	[sflag:s0] =	ssyncset.done @!p0 $0x0  }
0xf8: {  	[sflag:s0] =	ssyncadd.s32 @!p0 s1  }
0xf9: {  	[bflag:$0x3] =	sbarrier.arrive $0xFFFF  }
0xfa: {  	_ =	shalt  }

</sc_bundles>
